<compile_context>
chip_gen: v7x
topology: tpu7x:2x2x1
jax: 0.10.2.dev20260603
libtpu: 0.0.44.dev20260713+nightly
codegen_flags: <defaults>
</compile_context>

<pallas_src>
import functools

import jax
import jax.numpy as jnp
from jax import lax
from jax.experimental import pallas as pl
from jax.experimental.pallas import tpu as pltpu
from jax.experimental.pallas import tpu_sc as plsc

N = 10000
E = 320000
IN_DIM = 128
OUT = 16
H = 8
HD = H * OUT

NT = 16
EPT = E // NT
C1 = 2000
NC1 = EPT // C1
C2 = 400
NC2 = EPT // C2
NPAD = 10240
NPT = NPAD // NT
RB = 128

BN = NPAD // 16

_SC_PARAMS = pltpu.CompilerParams(
    needs_layout_passes=False, use_tc_tiling_on_sc=False)
_MESH = dict(core_axis_name="c", subcore_axis_name="s", num_cores=1)


def _tc_body(h_ref, wc_ref, a1_ref, a2_ref, z_ref, ts_ref, td_ref):
    zb = jnp.dot(h_ref[...], wc_ref[...], preferred_element_type=jnp.float32)
    z_ref[...] = zb
    ts_ref[...] = jnp.dot(zb, a1_ref[...], preferred_element_type=jnp.float32)
    td_ref[...] = jnp.dot(zb, a2_ref[...], preferred_element_type=jnp.float32)


def _project(hp, Wc, A1, A2):
    return pl.pallas_call(
        _tc_body,
        grid=(NPAD // BN,),
        in_specs=[
            pl.BlockSpec((BN, IN_DIM), lambda i: (i, 0)),
            pl.BlockSpec((IN_DIM, HD), lambda i: (0, 0)),
            pl.BlockSpec((IN_DIM, H), lambda i: (0, 0)),
            pl.BlockSpec((IN_DIM, H), lambda i: (0, 0)),
        ],
        out_specs=[
            pl.BlockSpec((BN, HD), lambda i: (i, 0)),
            pl.BlockSpec((BN, H), lambda i: (i, 0)),
            pl.BlockSpec((BN, H), lambda i: (i, 0)),
        ],
        out_shape=[
            jax.ShapeDtypeStruct((NPAD, HD), jnp.float32),
            jax.ShapeDtypeStruct((NPAD, H), jnp.float32),
            jax.ShapeDtypeStruct((NPAD, H), jnp.float32),
        ],
    )(hp, Wc, A1, A2)


def _sc_alpha(ts, td, ei2d):
    mesh = plsc.VectorSubcoreMesh(**_MESH)

    @functools.partial(
        pl.kernel,
        out_type=[jax.ShapeDtypeStruct((E // 16, HD), jnp.float32)],
        mesh=mesh,
        compiler_params=_SC_PARAMS,
        scratch_types=[
            pltpu.VMEM((EPT // 16, 16), jnp.int32),
            pltpu.VMEM((EPT // 16, 16), jnp.int32),
            pltpu.VMEM((C1,), jnp.int32),
            pltpu.VMEM((C1,), jnp.int32),
            pltpu.VMEM((C1, H), jnp.float32),
            pltpu.VMEM((C1, H), jnp.float32),
            pltpu.VMEM((C1, H), jnp.float32),
            pltpu.VMEM((C1 * H // HD, HD), jnp.float32),
            pltpu.VMEM((NPT, H), jnp.float32),
            pltpu.VMEM_SHARED((NPAD, H), jnp.float32),
            pltpu.VMEM_SHARED((NPAD, H), jnp.float32),
            pltpu.VMEM_SHARED((NPAD, H), jnp.float32),
        ],
    )
    def ka(ts_hbm, td_hbm, ei_hbm, al_hbm,
           eiS, eiD, sidx, didx, gS, gD, exb, alb, sbuf, tS_sh, tD_sh, S_sh):
        wid = lax.axis_index("s")
        iota = lax.iota(jnp.int32, 16)
        zeros16 = jnp.zeros((16,), jnp.float32)
        nslice = pl.ds(wid * NPT, NPT)

        def zs(j, carry):
            flat = j * 16 + iota
            plsc.store_scatter(
                sbuf, [lax.shift_right_logical(flat, 3), flat & 7], zeros16)
            return carry
        lax.fori_loop(0, (NPT * H) // 16, zs, 0)
        pltpu.sync_copy(sbuf, S_sh.at[nslice, :])
        pltpu.sync_copy(ts_hbm.at[nslice, :], sbuf)
        pltpu.sync_copy(sbuf, tS_sh.at[nslice, :])
        pltpu.sync_copy(td_hbm.at[nslice, :], sbuf)
        pltpu.sync_copy(sbuf, tD_sh.at[nslice, :])

        ebase = wid * EPT
        pltpu.sync_copy(ei_hbm.at[pl.ds(ebase // 16, EPT // 16), :], eiS)
        pltpu.sync_copy(
            ei_hbm.at[pl.ds((E + ebase) // 16, EPT // 16), :], eiD)
        plsc.subcore_barrier()

        def unpack_idx(base_row):
            def up(j, carry):
                jr = jnp.full((16,), base_row + j, jnp.int32)
                plsc.store_scatter(
                    sidx, [j * 16 + iota], plsc.load_gather(eiS, [jr, iota]))
                plsc.store_scatter(
                    didx, [j * 16 + iota], plsc.load_gather(eiD, [jr, iota]))
                return carry
            lax.fori_loop(0, C1 // 16, up, 0)

        def stage1(c, carry):
            unpack_idx(c * (C1 // 16))
            pltpu.sync_copy(tS_sh.at[sidx], gS)
            pltpu.sync_copy(tD_sh.at[didx], gD)

            def comp(j, carry2):
                flat = j * 16 + iota
                r = lax.shift_right_logical(flat, 3)
                cc = flat & 7
                s = plsc.load_gather(gS, [r, cc]) + plsc.load_gather(gD, [r, cc])
                s = jnp.where(s < 0, s * jnp.float32(0.2), s)
                plsc.store_scatter(exb, [r, cc], jnp.exp(s))
                return carry2
            lax.fori_loop(0, (C1 * H) // 16, comp, 0)
            pltpu.sync_copy(exb, S_sh.at[didx], add=True)
            return carry
        lax.fori_loop(0, NC1, stage1, 0)
        plsc.subcore_barrier()

        pltpu.sync_copy(S_sh.at[nslice, :], sbuf)

        def recf(j, carry):
            flat = j * 16 + iota
            r = lax.shift_right_logical(flat, 3)
            cc = flat & 7
            v = plsc.load_gather(sbuf, [r, cc])
            plsc.store_scatter(
                sbuf, [r, cc], jnp.float32(1.0) / (v + jnp.float32(1e-9)))
            return carry
        lax.fori_loop(0, (NPT * H) // 16, recf, 0)
        pltpu.sync_copy(sbuf, S_sh.at[nslice, :])
        plsc.subcore_barrier()

        def stage2(c, carry):
            off = ebase + c * C1
            unpack_idx(c * (C1 // 16))
            pltpu.sync_copy(tS_sh.at[sidx], gS)
            pltpu.sync_copy(tD_sh.at[didx], gD)
            pltpu.sync_copy(S_sh.at[didx], exb)

            def comp(j, carry2):
                flat = j * 16 + iota
                r = lax.shift_right_logical(flat, 3)
                cc = flat & 7
                s = plsc.load_gather(gS, [r, cc]) + plsc.load_gather(gD, [r, cc])
                s = jnp.where(s < 0, s * jnp.float32(0.2), s)
                v = jnp.exp(s) * plsc.load_gather(exb, [r, cc])
                plsc.store_scatter(
                    alb, [lax.shift_right_logical(flat, 7), flat & 127], v)
                return carry2
            lax.fori_loop(0, (C1 * H) // 16, comp, 0)
            pltpu.sync_copy(
                alb, al_hbm.at[pl.ds(off * H // HD, C1 * H // HD), :])
            return carry
        lax.fori_loop(0, NC1, stage2, 0)

    return ka(ts, td, ei2d)


def _sc_aggregate(z0, z1, alpha, ei2d):
    mesh = plsc.VectorSubcoreMesh(
        core_axis_name="c", subcore_axis_name="s", num_cores=2)
    HW = HD // 2

    @functools.partial(
        pl.kernel,
        out_type=[jax.ShapeDtypeStruct((NPAD, HW), jnp.float32),
                  jax.ShapeDtypeStruct((NPAD, HW), jnp.float32)],
        mesh=mesh,
        compiler_params=_SC_PARAMS,
        scratch_types=[
            pltpu.VMEM((C2 // 16, 16), jnp.int32),
            pltpu.VMEM((C2 // 16, 16), jnp.int32),
            pltpu.VMEM((C2,), jnp.int32),
            pltpu.VMEM((C2,), jnp.int32),
            pltpu.VMEM((C2, HW), jnp.float32),
            pltpu.VMEM((C2, HW), jnp.float32),
            pltpu.VMEM((C2 * H // HD, HD), jnp.float32),
            pltpu.VMEM((RB, HW), jnp.float32),
            pltpu.VMEM_SHARED((NPAD, HW), jnp.float32),
        ],
    )
    def kb(z0_hbm, z1_hbm, al_hbm, ei_hbm, out0_hbm, out1_hbm,
           sidx2d, didx2d, sidx, didx, zrows, msg, al, obuf, out_sh):
        cid = lax.axis_index("c")
        wid = lax.axis_index("s")
        iota = lax.iota(jnp.int32, 16)
        zeros16 = jnp.zeros((16,), jnp.float32)
        ebase = wid * EPT
        cols = [jnp.full((16,), h0 * OUT, jnp.int32) + iota
                for h0 in range(H // 2)]

        def zo(j, carry):
            flat = j * 16 + iota
            plsc.store_scatter(
                obuf, [lax.shift_right_logical(flat, 6), flat & 63], zeros16)
            return carry
        lax.fori_loop(0, (RB * HW) // 16, zo, 0)

        def phase(zp_hbm, op_hbm, p):
            def zcopy(r, carry):
                pltpu.sync_copy(
                    obuf, out_sh.at[pl.ds(wid * NPT + r * RB, RB), :])
                return carry
            lax.fori_loop(0, NPT // RB, zcopy, 0)
            plsc.subcore_barrier()

            def stage(c, carry):
                off = ebase + c * C2
                pltpu.sync_copy(
                    ei_hbm.at[pl.ds(off // 16, C2 // 16), :], sidx2d)
                pltpu.sync_copy(
                    ei_hbm.at[pl.ds(E // 16 + off // 16, C2 // 16), :], didx2d)

                def unpack(j, carry2):
                    jr = jnp.full((16,), j, jnp.int32)
                    plsc.store_scatter(
                        sidx, [j * 16 + iota],
                        plsc.load_gather(sidx2d, [jr, iota]))
                    plsc.store_scatter(
                        didx, [j * 16 + iota],
                        plsc.load_gather(didx2d, [jr, iota]))
                    return carry2
                lax.fori_loop(0, C2 // 16, unpack, 0)
                pltpu.sync_copy(zp_hbm.at[sidx], zrows)
                pltpu.sync_copy(
                    al_hbm.at[pl.ds(off * H // HD, C2 * H // HD), :], al)

                def mcomp(e, carry2):
                    spe = jnp.full((16,), e, jnp.int32)
                    fb = e * H + p * (H // 2)
                    arow = jnp.full(
                        (16,), lax.shift_right_logical(fb, 7), jnp.int32)
                    acol = fb & 127
                    for h0 in range(H // 2):
                        ah = plsc.load_gather(
                            al, [arow, jnp.full((16,), acol + h0, jnp.int32)])
                        zv = plsc.load_gather(zrows, [spe, cols[h0]])
                        plsc.store_scatter(msg, [spe, cols[h0]], zv * ah)
                    return carry2
                lax.fori_loop(0, C2, mcomp, 0)
                pltpu.sync_copy(msg, out_sh.at[didx], add=True)
                return carry
            lax.fori_loop(0, NC2, stage, 0)
            plsc.subcore_barrier()

            def ocopy(r, carry):
                s = pl.ds(wid * NPT + r * RB, RB)
                pltpu.sync_copy(out_sh.at[s, :], obuf)
                pltpu.sync_copy(obuf, op_hbm.at[s, :])
                return carry
            lax.fori_loop(0, NPT // RB, ocopy, 0)

        @pl.when(cid == 0)
        def _p0():
            phase(z0_hbm, out0_hbm, 0)

        @pl.when(cid == 1)
        def _p1():
            phase(z1_hbm, out1_hbm, 1)

    return kb(z0, z1, alpha, ei2d)


@jax.jit
def kernel(h, edge_index, o, W, a):
    del o
    Wc = jnp.transpose(W, (1, 0, 2)).reshape(IN_DIM, HD)
    a1 = a[:, :OUT, 0]
    a2 = a[:, OUT:, 0]
    eye = jnp.eye(H, dtype=jnp.float32)
    A1 = (a1[:, :, None] * eye[:, None, :]).reshape(HD, H)
    A2 = (a2[:, :, None] * eye[:, None, :]).reshape(HD, H)
    hp = jnp.pad(h, ((0, NPAD - N), (0, 0)))
    z, ts, td = _project(hp, Wc, A1, A2)
    src = edge_index[0]
    dst = edge_index[1]
    ei2d = edge_index.reshape(2 * E // 16, 16)
    del src, dst
    (alpha,) = _sc_alpha(ts, td, ei2d)
    out0, out1 = _sc_aggregate(z[:, :HD // 2], z[:, HD // 2:], alpha, ei2d)
    return jnp.concatenate([out0[:N], out1[:N]], axis=1)

# --- scband reference (transcript-rebuilt; emitter-appended) ---
"""Pipeline reference for scband-multi-head-sgatlayer-63093069578621 (READ-ONLY COPY).

The authoritative reference and input builder live on the scoring server;
editing this copy changes nothing except your own understanding.
"""

import jax, jax.numpy as jnp
import numpy as np

N = 10000
E = 320000
IN_DIM = 128
OUT_DIM = 16
HEADS = 8

def setup_inputs(seed: int = 0):
    key = jax.random.key(seed)
    k0, k1, k2, k3 = jax.random.split(key, 4)
    h = jax.random.normal(k0, (N, IN_DIM), dtype=jnp.float32)
    edge_index = jax.random.randint(k1, (2, E), 0, N, dtype=jnp.int32)
    o = jnp.zeros((N,), dtype=jnp.float32)
    # per-head GAT parameters: fc weight [H, IN, OUT], attn vector [H, 2*OUT, 1]
    W = jax.random.normal(k2, (HEADS, IN_DIM, OUT_DIM), dtype=jnp.float32) * (1.0 / np.sqrt(IN_DIM))
    a = jax.random.normal(k3, (HEADS, 2 * OUT_DIM, 1), dtype=jnp.float32) * 0.1
    return {"h": h, "edge_index": edge_index, "o": o, "W": W, "a": a}

def _sgat_multihead(h, edge_index, W, a):
    src = edge_index[0]
    dst = edge_index[1]
    # linear projection per head: [H, N, OUT]
    z = jnp.einsum('nd,hdo->hno', h, W)
    z_src = z[:, src, :]  # [H, E, OUT] gather
    z_dst = z[:, dst, :]  # [H, E, OUT] gather
    z2 = jnp.concatenate([z_src, z_dst], axis=-1)  # [H, E, 2*OUT]
    e = jnp.einsum('heo,hoi->hei', z2, a)[..., 0]  # [H, E]
    e = jax.nn.leaky_relu(e, negative_slope=0.2)
    eT = e.T  # [E, H]
    # segment softmax over incoming edges per destination node
    m = jax.ops.segment_max(eT, dst, num_segments=N)  # [N, H]
    m = jnp.where(jnp.isfinite(m), m, 0.0)
    ex = jnp.exp(eT - m[dst])  # [E, H]
    s = jax.ops.segment_sum(ex, dst, num_segments=N)  # [N, H]
    alpha = ex / (s[dst] + 1e-9)  # [E, H]
    msg = jnp.transpose(z_src, (1, 0, 2)) * alpha[..., None]  # [E, H, OUT]
    out = jax.ops.segment_sum(msg, dst, num_segments=N)  # [N, H, OUT]
    # merge == 'cat': concatenate head outputs along feature dim
    return out.reshape(N, HEADS * OUT_DIM)

def reference(h, edge_index, o, W, a):
    # o is accepted by the torch forward signature but unused.
    # Dropout on h is identity in eval mode.
    return _sgat_multihead(h, edge_index, W, a)

if __name__ == "__main__":
    import jax
    _d = setup_inputs()
    print(jax.jit(kernel)(*tuple(_d.values())))

</pallas_src>

<mosaic_0001>
#map = affine_map<(d0, d1) -> (0, 0)>
module attributes {stable_mosaic.version = 14 : i64} {
  func.func @ka(%arg0: i32, %arg1: i32, %arg2: memref<10240x8xf32, #tpu.memory_space<hbm>>, %arg3: memref<10240x8xf32, #tpu.memory_space<hbm>>, %arg4: memref<40000x16xi32, #tpu.memory_space<hbm>>, %arg5: memref<20000x128xf32, #tpu.memory_space<hbm>>, %arg6: memref<1250x16xi32, #tpu.memory_space<vmem>>, %arg7: memref<1250x16xi32, #tpu.memory_space<vmem>>, %arg8: memref<2000xi32, #tpu.memory_space<vmem>>, %arg9: memref<2000xi32, #tpu.memory_space<vmem>>, %arg10: memref<2000x8xf32, #tpu.memory_space<vmem>>, %arg11: memref<2000x8xf32, #tpu.memory_space<vmem>>, %arg12: memref<2000x8xf32, #tpu.memory_space<vmem>>, %arg13: memref<125x128xf32, #tpu.memory_space<vmem>>, %arg14: memref<640x8xf32, #tpu.memory_space<vmem>>, %arg15: memref<10240x8xf32, #tpu.memory_space<vmem_shared>>, %arg16: memref<10240x8xf32, #tpu.memory_space<vmem_shared>>, %arg17: memref<10240x8xf32, #tpu.memory_space<vmem_shared>>) attributes {dimension_semantics = [#tpu.dimension_semantics<core_parallel>, #tpu.dimension_semantics<subcore_parallel>], iteration_bounds = array<i64: 1, 16>, scalar_prefetch = 0 : i64, scratch_operands = 12 : i64, tpu.core_type = #tpu.core_type<sc_vector_subcore>, window_params = [{transform_indices = #map}, {transform_indices = #map}, {transform_indices = #map}, {transform_indices = #map}]} {
    %iota3A = tpu.iota {dimensions = array<i32: 0>} : vector<16xi32>
    %broadcast_in_dim3A = arith.constant 0.000000e+00 : f32
    %broadcast_in_dim3A_0 = vector.broadcast %broadcast_in_dim3A : f32 to vector<16xf32>
    %mul3A = arith.constant 640 : i32
    %mul3A_1 = arith.muli %arg1, %mul3A : i32
    %scan3A = arith.constant 0 : i32
    %scan3A_2 = arith.constant 0 : i32
    %scan3A_3 = arith.constant 320 : i32
    %scan3A_4 = arith.addi %scan3A_2, %scan3A_3 : i32
    %scan3A_5 = arith.constant 1 : i32
    scf.for %scan3A_70 = %scan3A_2 to %scan3A_4 step %scan3A_5  : i32 {
      %mul3A_71 = arith.constant 16 : i32
      %mul3A_72 = arith.muli %scan3A_70, %mul3A_71 : i32
      %add3A_73 = vector.broadcast %mul3A_72 : i32 to vector<16xi32>
      %add3A_74 = arith.addi %add3A_73, %iota3A : vector<16xi32>
      %shift_right_logical3A = arith.constant 3 : i32
      %shift_right_logical3A_75 = vector.broadcast %shift_right_logical3A : i32 to vector<16xi32>
      %shift_right_logical3A_76 = arith.shrui %add3A_74, %shift_right_logical3A_75 : vector<16xi32>
      %and3A_77 = arith.constant 7 : i32
      %and3A_78 = vector.broadcast %and3A_77 : i32 to vector<16xi32>
      %and3A_79 = arith.andi %add3A_74, %and3A_78 : vector<16xi32>
      tpu.vector_store_idx %arg14[%shift_right_logical3A_76, %and3A_79], %broadcast_in_dim3A_0 : memref<640x8xf32, #tpu.memory_space<vmem>>[vector<16xi32>, vector<16xi32>], vector<16xf32>,
    }
    %scan3A_6 = arith.constant 320 : i32
    "tpu.region"() ({
      %run_scoped3A = tpu.sem_alloc : memref<!tpu.dma_semaphore, #tpu.memory_space<semaphore_mem>>
      %dma_start3A = arith.constant 0 : i32
      %dma_start3A_70 = tpu.memref_slice %arg17[%mul3A_1, %dma_start3A] : memref<10240x8xf32, #tpu.memory_space<vmem_shared>> -> memref<640x8xf32, #tpu.memory_space<vmem_shared>>
      %dma_start3A_71 = arith.constant 0 : i32
      %dma_start3A_72 = tpu.memref_slice %arg17[%mul3A_1, %dma_start3A_71] : memref<10240x8xf32, #tpu.memory_space<vmem_shared>> -> memref<640x8xf32, #tpu.memory_space<vmem_shared>>
      tpu.enqueue_dma source(%arg14 : memref<640x8xf32, #tpu.memory_space<vmem>>) target(%dma_start3A_72 : memref<640x8xf32, #tpu.memory_space<vmem_shared>>) target_semaphore(%run_scoped3A : memref<!tpu.dma_semaphore, #tpu.memory_space<semaphore_mem>>)
      %dma_wait3A = arith.constant 0 : i32
      %dma_wait3A_73 = tpu.memref_slice %arg17[%mul3A_1, %dma_wait3A] : memref<10240x8xf32, #tpu.memory_space<vmem_shared>> -> memref<640x8xf32, #tpu.memory_space<vmem_shared>>
      %dma_wait3A_74 = arith.constant 0 : i32
      %dma_wait3A_75 = tpu.memref_slice %arg17[%mul3A_1, %dma_wait3A_74] : memref<10240x8xf32, #tpu.memory_space<vmem_shared>> -> memref<640x8xf32, #tpu.memory_space<vmem_shared>>
      tpu.wait_dma2 semaphore(%run_scoped3A : memref<!tpu.dma_semaphore, #tpu.memory_space<semaphore_mem>>) src(%arg14 : memref<640x8xf32, #tpu.memory_space<vmem>>) dst(%dma_wait3A_75 : memref<640x8xf32, #tpu.memory_space<vmem_shared>>)
      tpu.yield
    }) : () -> ()
    "tpu.region"() ({
      %run_scoped3A = tpu.sem_alloc : memref<!tpu.dma_semaphore, #tpu.memory_space<semaphore_mem>>
      %dma_start3A = arith.constant 0 : i32
      %dma_start3A_70 = tpu.memref_slice %arg2[%mul3A_1, %dma_start3A] : memref<10240x8xf32, #tpu.memory_space<hbm>> -> memref<640x8xf32, #tpu.memory_space<hbm>>
      %dma_start3A_71 = arith.constant 0 : i32
      %dma_start3A_72 = tpu.memref_slice %arg2[%mul3A_1, %dma_start3A_71] : memref<10240x8xf32, #tpu.memory_space<hbm>> -> memref<640x8xf32, #tpu.memory_space<hbm>>
      tpu.enqueue_dma source(%dma_start3A_72 : memref<640x8xf32, #tpu.memory_space<hbm>>) target(%arg14 : memref<640x8xf32, #tpu.memory_space<vmem>>) target_semaphore(%run_scoped3A : memref<!tpu.dma_semaphore, #tpu.memory_space<semaphore_mem>>)
      %dma_wait3A = arith.constant 0 : i32
      %dma_wait3A_73 = tpu.memref_slice %arg2[%mul3A_1, %dma_wait3A] : memref<10240x8xf32, #tpu.memory_space<hbm>> -> memref<640x8xf32, #tpu.memory_space<hbm>>
      %dma_wait3A_74 = arith.constant 0 : i32
      %dma_wait3A_75 = tpu.memref_slice %arg2[%mul3A_1, %dma_wait3A_74] : memref<10240x8xf32, #tpu.memory_space<hbm>> -> memref<640x8xf32, #tpu.memory_space<hbm>>
      tpu.wait_dma2 semaphore(%run_scoped3A : memref<!tpu.dma_semaphore, #tpu.memory_space<semaphore_mem>>) src(%dma_wait3A_75 : memref<640x8xf32, #tpu.memory_space<hbm>>) dst(%arg14 : memref<640x8xf32, #tpu.memory_space<vmem>>)
      tpu.yield
    }) : () -> ()
    "tpu.region"() ({
      %run_scoped3A = tpu.sem_alloc : memref<!tpu.dma_semaphore, #tpu.memory_space<semaphore_mem>>
      %dma_start3A = arith.constant 0 : i32
      %dma_start3A_70 = tpu.memref_slice %arg15[%mul3A_1, %dma_start3A] : memref<10240x8xf32, #tpu.memory_space<vmem_shared>> -> memref<640x8xf32, #tpu.memory_space<vmem_shared>>
      %dma_start3A_71 = arith.constant 0 : i32
      %dma_start3A_72 = tpu.memref_slice %arg15[%mul3A_1, %dma_start3A_71] : memref<10240x8xf32, #tpu.memory_space<vmem_shared>> -> memref<640x8xf32, #tpu.memory_space<vmem_shared>>
      tpu.enqueue_dma source(%arg14 : memref<640x8xf32, #tpu.memory_space<vmem>>) target(%dma_start3A_72 : memref<640x8xf32, #tpu.memory_space<vmem_shared>>) target_semaphore(%run_scoped3A : memref<!tpu.dma_semaphore, #tpu.memory_space<semaphore_mem>>)
      %dma_wait3A = arith.constant 0 : i32
      %dma_wait3A_73 = tpu.memref_slice %arg15[%mul3A_1, %dma_wait3A] : memref<10240x8xf32, #tpu.memory_space<vmem_shared>> -> memref<640x8xf32, #tpu.memory_space<vmem_shared>>
      %dma_wait3A_74 = arith.constant 0 : i32
      %dma_wait3A_75 = tpu.memref_slice %arg15[%mul3A_1, %dma_wait3A_74] : memref<10240x8xf32, #tpu.memory_space<vmem_shared>> -> memref<640x8xf32, #tpu.memory_space<vmem_shared>>
      tpu.wait_dma2 semaphore(%run_scoped3A : memref<!tpu.dma_semaphore, #tpu.memory_space<semaphore_mem>>) src(%arg14 : memref<640x8xf32, #tpu.memory_space<vmem>>) dst(%dma_wait3A_75 : memref<640x8xf32, #tpu.memory_space<vmem_shared>>)
      tpu.yield
    }) : () -> ()
    "tpu.region"() ({
      %run_scoped3A = tpu.sem_alloc : memref<!tpu.dma_semaphore, #tpu.memory_space<semaphore_mem>>
      %dma_start3A = arith.constant 0 : i32
      %dma_start3A_70 = tpu.memref_slice %arg3[%mul3A_1, %dma_start3A] : memref<10240x8xf32, #tpu.memory_space<hbm>> -> memref<640x8xf32, #tpu.memory_space<hbm>>
      %dma_start3A_71 = arith.constant 0 : i32
      %dma_start3A_72 = tpu.memref_slice %arg3[%mul3A_1, %dma_start3A_71] : memref<10240x8xf32, #tpu.memory_space<hbm>> -> memref<640x8xf32, #tpu.memory_space<hbm>>
      tpu.enqueue_dma source(%dma_start3A_72 : memref<640x8xf32, #tpu.memory_space<hbm>>) target(%arg14 : memref<640x8xf32, #tpu.memory_space<vmem>>) target_semaphore(%run_scoped3A : memref<!tpu.dma_semaphore, #tpu.memory_space<semaphore_mem>>)
      %dma_wait3A = arith.constant 0 : i32
      %dma_wait3A_73 = tpu.memref_slice %arg3[%mul3A_1, %dma_wait3A] : memref<10240x8xf32, #tpu.memory_space<hbm>> -> memref<640x8xf32, #tpu.memory_space<hbm>>
      %dma_wait3A_74 = arith.constant 0 : i32
      %dma_wait3A_75 = tpu.memref_slice %arg3[%mul3A_1, %dma_wait3A_74] : memref<10240x8xf32, #tpu.memory_space<hbm>> -> memref<640x8xf32, #tpu.memory_space<hbm>>
      tpu.wait_dma2 semaphore(%run_scoped3A : memref<!tpu.dma_semaphore, #tpu.memory_space<semaphore_mem>>) src(%dma_wait3A_75 : memref<640x8xf32, #tpu.memory_space<hbm>>) dst(%arg14 : memref<640x8xf32, #tpu.memory_space<vmem>>)
      tpu.yield
    }) : () -> ()
    "tpu.region"() ({
      %run_scoped3A = tpu.sem_alloc : memref<!tpu.dma_semaphore, #tpu.memory_space<semaphore_mem>>
      %dma_start3A = arith.constant 0 : i32
      %dma_start3A_70 = tpu.memref_slice %arg16[%mul3A_1, %dma_start3A] : memref<10240x8xf32, #tpu.memory_space<vmem_shared>> -> memref<640x8xf32, #tpu.memory_space<vmem_shared>>
      %dma_start3A_71 = arith.constant 0 : i32
      %dma_start3A_72 = tpu.memref_slice %arg16[%mul3A_1, %dma_start3A_71] : memref<10240x8xf32, #tpu.memory_space<vmem_shared>> -> memref<640x8xf32, #tpu.memory_space<vmem_shared>>
      tpu.enqueue_dma source(%arg14 : memref<640x8xf32, #tpu.memory_space<vmem>>) target(%dma_start3A_72 : memref<640x8xf32, #tpu.memory_space<vmem_shared>>) target_semaphore(%run_scoped3A : memref<!tpu.dma_semaphore, #tpu.memory_space<semaphore_mem>>)
      %dma_wait3A = arith.constant 0 : i32
      %dma_wait3A_73 = tpu.memref_slice %arg16[%mul3A_1, %dma_wait3A] : memref<10240x8xf32, #tpu.memory_space<vmem_shared>> -> memref<640x8xf32, #tpu.memory_space<vmem_shared>>
      %dma_wait3A_74 = arith.constant 0 : i32
      %dma_wait3A_75 = tpu.memref_slice %arg16[%mul3A_1, %dma_wait3A_74] : memref<10240x8xf32, #tpu.memory_space<vmem_shared>> -> memref<640x8xf32, #tpu.memory_space<vmem_shared>>
      tpu.wait_dma2 semaphore(%run_scoped3A : memref<!tpu.dma_semaphore, #tpu.memory_space<semaphore_mem>>) src(%arg14 : memref<640x8xf32, #tpu.memory_space<vmem>>) dst(%dma_wait3A_75 : memref<640x8xf32, #tpu.memory_space<vmem_shared>>)
      tpu.yield
    }) : () -> ()
    %mul3A_7 = arith.constant 20000 : i32
    %mul3A_8 = arith.muli %arg1, %mul3A_7 : i32
    %jit3A = arith.constant 16 : i32
    %div3A = arith.divsi %mul3A_8, %jit3A : i32
    %sign3A = arith.constant 0 : i32
    %sign3A_9 = arith.cmpi sgt, %mul3A_8, %sign3A : i32
    %sign3A_10 = arith.extui %sign3A_9 : i1 to i32
    %sign3A_11 = arith.constant 0 : i32
    %sign3A_12 = arith.cmpi slt, %mul3A_8, %sign3A_11 : i32
    %sign3A_13 = arith.extui %sign3A_12 : i1 to i32
    %sign3A_14 = arith.subi %sign3A_10, %sign3A_13 : i32
    %sign3A_15 = arith.constant 0 : i32
    %sign3A_16 = arith.cmpi sgt, %jit3A, %sign3A_15 : i32
    %sign3A_17 = arith.extui %sign3A_16 : i1 to i32
    %sign3A_18 = arith.constant 0 : i32
    %sign3A_19 = arith.cmpi slt, %jit3A, %sign3A_18 : i32
    %sign3A_20 = arith.extui %sign3A_19 : i1 to i32
    %sign3A_21 = arith.subi %sign3A_17, %sign3A_20 : i32
    %ne3A = arith.cmpi ne, %sign3A_14, %sign3A_21 : i32
    %rem3A = arith.remsi %mul3A_8, %jit3A : i32
    %ne3A_22 = arith.constant 0 : i32
    %ne3A_23 = arith.cmpi ne, %rem3A, %ne3A_22 : i32
    %and3A = arith.andi %ne3A, %ne3A_23 : i1
    %sub3A = arith.constant 1 : i32
    %sub3A_24 = arith.subi %div3A, %sub3A : i32
    %select_n3A = arith.select %and3A, %sub3A_24, %div3A : i32
    "tpu.region"() ({
      %run_scoped3A = tpu.sem_alloc : memref<!tpu.dma_semaphore, #tpu.memory_space<semaphore_mem>>
      %dma_start3A = arith.constant 0 : i32
      %dma_start3A_70 = tpu.memref_slice %arg4[%select_n3A, %dma_start3A] : memref<40000x16xi32, #tpu.memory_space<hbm>> -> memref<1250x16xi32, #tpu.memory_space<hbm>>
      %dma_start3A_71 = arith.constant 0 : i32
      %dma_start3A_72 = tpu.memref_slice %arg4[%select_n3A, %dma_start3A_71] : memref<40000x16xi32, #tpu.memory_space<hbm>> -> memref<1250x16xi32, #tpu.memory_space<hbm>>
      tpu.enqueue_dma source(%dma_start3A_72 : memref<1250x16xi32, #tpu.memory_space<hbm>>) target(%arg6 : memref<1250x16xi32, #tpu.memory_space<vmem>>) target_semaphore(%run_scoped3A : memref<!tpu.dma_semaphore, #tpu.memory_space<semaphore_mem>>)
      %dma_wait3A = arith.constant 0 : i32
      %dma_wait3A_73 = tpu.memref_slice %arg4[%select_n3A, %dma_wait3A] : memref<40000x16xi32, #tpu.memory_space<hbm>> -> memref<1250x16xi32, #tpu.memory_space<hbm>>
      %dma_wait3A_74 = arith.constant 0 : i32
      %dma_wait3A_75 = tpu.memref_slice %arg4[%select_n3A, %dma_wait3A_74] : memref<40000x16xi32, #tpu.memory_space<hbm>> -> memref<1250x16xi32, #tpu.memory_space<hbm>>
      tpu.wait_dma2 semaphore(%run_scoped3A : memref<!tpu.dma_semaphore, #tpu.memory_space<semaphore_mem>>) src(%dma_wait3A_75 : memref<1250x16xi32, #tpu.memory_space<hbm>>) dst(%arg6 : memref<1250x16xi32, #tpu.memory_space<vmem>>)
      tpu.yield
    }) : () -> ()
    %add3A = arith.constant 320000 : i32
    %add3A_25 = arith.addi %add3A, %mul3A_8 : i32
    %jit3A_26 = arith.constant 16 : i32
    %div3A_27 = arith.divsi %add3A_25, %jit3A_26 : i32
    %sign3A_28 = arith.constant 0 : i32
    %sign3A_29 = arith.cmpi sgt, %add3A_25, %sign3A_28 : i32
    %sign3A_30 = arith.extui %sign3A_29 : i1 to i32
    %sign3A_31 = arith.constant 0 : i32
    %sign3A_32 = arith.cmpi slt, %add3A_25, %sign3A_31 : i32
    %sign3A_33 = arith.extui %sign3A_32 : i1 to i32
    %sign3A_34 = arith.subi %sign3A_30, %sign3A_33 : i32
    %sign3A_35 = arith.constant 0 : i32
    %sign3A_36 = arith.cmpi sgt, %jit3A_26, %sign3A_35 : i32
    %sign3A_37 = arith.extui %sign3A_36 : i1 to i32
    %sign3A_38 = arith.constant 0 : i32
    %sign3A_39 = arith.cmpi slt, %jit3A_26, %sign3A_38 : i32
    %sign3A_40 = arith.extui %sign3A_39 : i1 to i32
    %sign3A_41 = arith.subi %sign3A_37, %sign3A_40 : i32
    %ne3A_42 = arith.cmpi ne, %sign3A_34, %sign3A_41 : i32
    %rem3A_43 = arith.remsi %add3A_25, %jit3A_26 : i32
    %ne3A_44 = arith.constant 0 : i32
    %ne3A_45 = arith.cmpi ne, %rem3A_43, %ne3A_44 : i32
    %and3A_46 = arith.andi %ne3A_42, %ne3A_45 : i1
    %sub3A_47 = arith.constant 1 : i32
    %sub3A_48 = arith.subi %div3A_27, %sub3A_47 : i32
    %select_n3A_49 = arith.select %and3A_46, %sub3A_48, %div3A_27 : i32
    "tpu.region"() ({
      %run_scoped3A = tpu.sem_alloc : memref<!tpu.dma_semaphore, #tpu.memory_space<semaphore_mem>>
      %dma_start3A = arith.constant 0 : i32
      %dma_start3A_70 = tpu.memref_slice %arg4[%select_n3A_49, %dma_start3A] : memref<40000x16xi32, #tpu.memory_space<hbm>> -> memref<1250x16xi32, #tpu.memory_space<hbm>>
      %dma_start3A_71 = arith.constant 0 : i32
      %dma_start3A_72 = tpu.memref_slice %arg4[%select_n3A_49, %dma_start3A_71] : memref<40000x16xi32, #tpu.memory_space<hbm>> -> memref<1250x16xi32, #tpu.memory_space<hbm>>
      tpu.enqueue_dma source(%dma_start3A_72 : memref<1250x16xi32, #tpu.memory_space<hbm>>) target(%arg7 : memref<1250x16xi32, #tpu.memory_space<vmem>>) target_semaphore(%run_scoped3A : memref<!tpu.dma_semaphore, #tpu.memory_space<semaphore_mem>>)
      %dma_wait3A = arith.constant 0 : i32
      %dma_wait3A_73 = tpu.memref_slice %arg4[%select_n3A_49, %dma_wait3A] : memref<40000x16xi32, #tpu.memory_space<hbm>> -> memref<1250x16xi32, #tpu.memory_space<hbm>>
      %dma_wait3A_74 = arith.constant 0 : i32
      %dma_wait3A_75 = tpu.memref_slice %arg4[%select_n3A_49, %dma_wait3A_74] : memref<40000x16xi32, #tpu.memory_space<hbm>> -> memref<1250x16xi32, #tpu.memory_space<hbm>>
      tpu.wait_dma2 semaphore(%run_scoped3A : memref<!tpu.dma_semaphore, #tpu.memory_space<semaphore_mem>>) src(%dma_wait3A_75 : memref<1250x16xi32, #tpu.memory_space<hbm>>) dst(%arg7 : memref<1250x16xi32, #tpu.memory_space<vmem>>)
      tpu.yield
    }) : () -> ()
    %barrier3A = arith.constant 0 : index
    tpu.barrier barrier_id(%barrier3A)
    %scan3A_50 = arith.constant 0 : i32
    %scan3A_51 = arith.constant 0 : i32
    %scan3A_52 = arith.constant 10 : i32
    %scan3A_53 = arith.addi %scan3A_51, %scan3A_52 : i32
    %scan3A_54 = arith.constant 1 : i32
    scf.for %scan3A_70 = %scan3A_51 to %scan3A_53 step %scan3A_54  : i32 {
      %mul3A_71 = arith.constant 125 : i32
      %mul3A_72 = arith.muli %scan3A_70, %mul3A_71 : i32
      %scan3A_73 = arith.constant 0 : i32
      %scan3A_74 = arith.constant 0 : i32
      %scan3A_75 = arith.constant 125 : i32
      %scan3A_76 = arith.addi %scan3A_74, %scan3A_75 : i32
      %scan3A_77 = arith.constant 1 : i32
      scf.for %scan3A_85 = %scan3A_74 to %scan3A_76 step %scan3A_77  : i32 {
        %add3A_86 = arith.addi %mul3A_72, %scan3A_85 : i32
        %broadcast_in_dim3A_87 = vector.broadcast %add3A_86 : i32 to vector<16xi32>
        %mul3A_88 = arith.constant 16 : i32
        %mul3A_89 = arith.muli %scan3A_85, %mul3A_88 : i32
        %add3A_90 = vector.broadcast %mul3A_89 : i32 to vector<16xi32>
        %add3A_91 = arith.addi %add3A_90, %iota3A : vector<16xi32>
        %gather3A = tpu.vector_load_idx %arg6[%broadcast_in_dim3A_87, %iota3A] : memref<1250x16xi32, #tpu.memory_space<vmem>>[vector<16xi32>, vector<16xi32>], vector<16xi32>,
        tpu.vector_store_idx %arg8[%add3A_91], %gather3A : memref<2000xi32, #tpu.memory_space<vmem>>[vector<16xi32>], vector<16xi32>,
        %mul3A_92 = arith.constant 16 : i32
        %mul3A_93 = arith.muli %scan3A_85, %mul3A_92 : i32
        %add3A_94 = vector.broadcast %mul3A_93 : i32 to vector<16xi32>
        %add3A_95 = arith.addi %add3A_94, %iota3A : vector<16xi32>
        %gather3A_96 = tpu.vector_load_idx %arg7[%broadcast_in_dim3A_87, %iota3A] : memref<1250x16xi32, #tpu.memory_space<vmem>>[vector<16xi32>, vector<16xi32>], vector<16xi32>,
        tpu.vector_store_idx %arg9[%add3A_95], %gather3A_96 : memref<2000xi32, #tpu.memory_space<vmem>>[vector<16xi32>], vector<16xi32>,
      }
      %scan3A_78 = arith.constant 125 : i32
      "tpu.region"() ({
        %run_scoped3A = tpu.sem_alloc : memref<!tpu.dma_semaphore, #tpu.memory_space<semaphore_mem>>
        %dma_start3A = arith.constant 0 : i32
        %dma_start3A_85 = arith.constant 0 : i32
        %dma_start3A_86 = tpu.memref_slice %arg15[%dma_start3A, %dma_start3A_85] : memref<10240x8xf32, #tpu.memory_space<vmem_shared>> -> memref<10240x8xf32, #tpu.memory_space<vmem_shared>>
        tpu.enqueue_indirect_dma source(%dma_start3A_86 : memref<10240x8xf32, #tpu.memory_space<vmem_shared>>) target(%arg10 : memref<2000x8xf32, #tpu.memory_space<vmem>>) offsets(%arg8 : memref<2000xi32, #tpu.memory_space<vmem>>) semaphore(%run_scoped3A : memref<!tpu.dma_semaphore, #tpu.memory_space<semaphore_mem>>)
        %dma_wait3A = arith.constant 0 : i32
        %dma_wait3A_87 = arith.constant 0 : i32
        %dma_wait3A_88 = tpu.memref_slice %arg15[%dma_wait3A, %dma_wait3A_87] : memref<10240x8xf32, #tpu.memory_space<vmem_shared>> -> memref<10240x8xf32, #tpu.memory_space<vmem_shared>>
        tpu.wait_indirect_dma semaphore(%run_scoped3A : memref<!tpu.dma_semaphore, #tpu.memory_space<semaphore_mem>>) src(%dma_wait3A_88 : memref<10240x8xf32, #tpu.memory_space<vmem_shared>>) dst(%arg10 : memref<2000x8xf32, #tpu.memory_space<vmem>>)
        tpu.yield
      }) : () -> ()
      "tpu.region"() ({
        %run_scoped3A = tpu.sem_alloc : memref<!tpu.dma_semaphore, #tpu.memory_space<semaphore_mem>>
        %dma_start3A = arith.constant 0 : i32
        %dma_start3A_85 = arith.constant 0 : i32
        %dma_start3A_86 = tpu.memref_slice %arg16[%dma_start3A, %dma_start3A_85] : memref<10240x8xf32, #tpu.memory_space<vmem_shared>> -> memref<10240x8xf32, #tpu.memory_space<vmem_shared>>
        tpu.enqueue_indirect_dma source(%dma_start3A_86 : memref<10240x8xf32, #tpu.memory_space<vmem_shared>>) target(%arg11 : memref<2000x8xf32, #tpu.memory_space<vmem>>) offsets(%arg9 : memref<2000xi32, #tpu.memory_space<vmem>>) semaphore(%run_scoped3A : memref<!tpu.dma_semaphore, #tpu.memory_space<semaphore_mem>>)
        %dma_wait3A = arith.constant 0 : i32
        %dma_wait3A_87 = arith.constant 0 : i32
        %dma_wait3A_88 = tpu.memref_slice %arg16[%dma_wait3A, %dma_wait3A_87] : memref<10240x8xf32, #tpu.memory_space<vmem_shared>> -> memref<10240x8xf32, #tpu.memory_space<vmem_shared>>
        tpu.wait_indirect_dma semaphore(%run_scoped3A : memref<!tpu.dma_semaphore, #tpu.memory_space<semaphore_mem>>) src(%dma_wait3A_88 : memref<10240x8xf32, #tpu.memory_space<vmem_shared>>) dst(%arg11 : memref<2000x8xf32, #tpu.memory_space<vmem>>)
        tpu.yield
      }) : () -> ()
      %scan3A_79 = arith.constant 0 : i32
      %scan3A_80 = arith.constant 0 : i32
      %scan3A_81 = arith.constant 1000 : i32
      %scan3A_82 = arith.addi %scan3A_80, %scan3A_81 : i32
      %scan3A_83 = arith.constant 1 : i32
      scf.for %scan3A_85 = %scan3A_80 to %scan3A_82 step %scan3A_83  : i32 {
        %mul3A_86 = arith.constant 16 : i32
        %mul3A_87 = arith.muli %scan3A_85, %mul3A_86 : i32
        %add3A_88 = vector.broadcast %mul3A_87 : i32 to vector<16xi32>
        %add3A_89 = arith.addi %add3A_88, %iota3A : vector<16xi32>
        %shift_right_logical3A = arith.constant 3 : i32
        %shift_right_logical3A_90 = vector.broadcast %shift_right_logical3A : i32 to vector<16xi32>
        %shift_right_logical3A_91 = arith.shrui %add3A_89, %shift_right_logical3A_90 : vector<16xi32>
        %and3A_92 = arith.constant 7 : i32
        %and3A_93 = vector.broadcast %and3A_92 : i32 to vector<16xi32>
        %and3A_94 = arith.andi %add3A_89, %and3A_93 : vector<16xi32>
        %gather3A = tpu.vector_load_idx %arg10[%shift_right_logical3A_91, %and3A_94] : memref<2000x8xf32, #tpu.memory_space<vmem>>[vector<16xi32>, vector<16xi32>], vector<16xf32>,
        %gather3A_95 = tpu.vector_load_idx %arg11[%shift_right_logical3A_91, %and3A_94] : memref<2000x8xf32, #tpu.memory_space<vmem>>[vector<16xi32>, vector<16xi32>], vector<16xf32>,
        %add3A_96 = arith.addf %gather3A, %gather3A_95 : vector<16xf32>
        %lt3A = arith.constant 0.000000e+00 : f32
        %lt3A_97 = vector.broadcast %lt3A : f32 to vector<16xf32>
        %lt3A_98 = arith.cmpf olt, %add3A_96, %lt3A_97 : vector<16xf32>
        %mul3A_99 = arith.constant 2.000000e-01 : f32
        %mul3A_100 = vector.broadcast %mul3A_99 : f32 to vector<16xf32>
        %mul3A_101 = arith.mulf %add3A_96, %mul3A_100 : vector<16xf32>
        %select_n3A_102 = arith.select %lt3A_98, %mul3A_101, %add3A_96 : vector<16xi1>, vector<16xf32>
        %exp3A = math.exp %select_n3A_102 : vector<16xf32>
        tpu.vector_store_idx %arg12[%shift_right_logical3A_91, %and3A_94], %exp3A : memref<2000x8xf32, #tpu.memory_space<vmem>>[vector<16xi32>, vector<16xi32>], vector<16xf32>,
      }
      %scan3A_84 = arith.constant 1000 : i32
      "tpu.region"() ({
        %run_scoped3A = tpu.sem_alloc : memref<!tpu.dma_semaphore, #tpu.memory_space<semaphore_mem>>
        %dma_start3A = arith.constant 0 : i32
        %dma_start3A_85 = arith.constant 0 : i32
        %dma_start3A_86 = tpu.memref_slice %arg17[%dma_start3A, %dma_start3A_85] : memref<10240x8xf32, #tpu.memory_space<vmem_shared>> -> memref<10240x8xf32, #tpu.memory_space<vmem_shared>>
        tpu.enqueue_indirect_dma source(%arg12 : memref<2000x8xf32, #tpu.memory_space<vmem>>) target(%dma_start3A_86 : memref<10240x8xf32, #tpu.memory_space<vmem_shared>>) offsets(%arg9 : memref<2000xi32, #tpu.memory_space<vmem>>) semaphore(%run_scoped3A : memref<!tpu.dma_semaphore, #tpu.memory_space<semaphore_mem>>) {add = true}
        %dma_wait3A = arith.constant 0 : i32
        %dma_wait3A_87 = arith.constant 0 : i32
        %dma_wait3A_88 = tpu.memref_slice %arg17[%dma_wait3A, %dma_wait3A_87] : memref<10240x8xf32, #tpu.memory_space<vmem_shared>> -> memref<10240x8xf32, #tpu.memory_space<vmem_shared>>
        tpu.wait_indirect_dma semaphore(%run_scoped3A : memref<!tpu.dma_semaphore, #tpu.memory_space<semaphore_mem>>) src(%arg12 : memref<2000x8xf32, #tpu.memory_space<vmem>>) dst(%dma_wait3A_88 : memref<10240x8xf32, #tpu.memory_space<vmem_shared>>)
        tpu.yield
      }) : () -> ()
    }
    %scan3A_55 = arith.constant 10 : i32
    %barrier3A_56 = arith.constant 0 : index
    tpu.barrier barrier_id(%barrier3A_56)
    "tpu.region"() ({
      %run_scoped3A = tpu.sem_alloc : memref<!tpu.dma_semaphore, #tpu.memory_space<semaphore_mem>>
      %dma_start3A = arith.constant 0 : i32
      %dma_start3A_70 = tpu.memref_slice %arg17[%mul3A_1, %dma_start3A] : memref<10240x8xf32, #tpu.memory_space<vmem_shared>> -> memref<640x8xf32, #tpu.memory_space<vmem_shared>>
      %dma_start3A_71 = arith.constant 0 : i32
      %dma_start3A_72 = tpu.memref_slice %arg17[%mul3A_1, %dma_start3A_71] : memref<10240x8xf32, #tpu.memory_space<vmem_shared>> -> memref<640x8xf32, #tpu.memory_space<vmem_shared>>
      tpu.enqueue_dma source(%dma_start3A_72 : memref<640x8xf32, #tpu.memory_space<vmem_shared>>) target(%arg14 : memref<640x8xf32, #tpu.memory_space<vmem>>) target_semaphore(%run_scoped3A : memref<!tpu.dma_semaphore, #tpu.memory_space<semaphore_mem>>)
      %dma_wait3A = arith.constant 0 : i32
      %dma_wait3A_73 = tpu.memref_slice %arg17[%mul3A_1, %dma_wait3A] : memref<10240x8xf32, #tpu.memory_space<vmem_shared>> -> memref<640x8xf32, #tpu.memory_space<vmem_shared>>
      %dma_wait3A_74 = arith.constant 0 : i32
      %dma_wait3A_75 = tpu.memref_slice %arg17[%mul3A_1, %dma_wait3A_74] : memref<10240x8xf32, #tpu.memory_space<vmem_shared>> -> memref<640x8xf32, #tpu.memory_space<vmem_shared>>
      tpu.wait_dma2 semaphore(%run_scoped3A : memref<!tpu.dma_semaphore, #tpu.memory_space<semaphore_mem>>) src(%dma_wait3A_75 : memref<640x8xf32, #tpu.memory_space<vmem_shared>>) dst(%arg14 : memref<640x8xf32, #tpu.memory_space<vmem>>)
      tpu.yield
    }) : () -> ()
    %scan3A_57 = arith.constant 0 : i32
    %scan3A_58 = arith.constant 0 : i32
    %scan3A_59 = arith.constant 320 : i32
    %scan3A_60 = arith.addi %scan3A_58, %scan3A_59 : i32
    %scan3A_61 = arith.constant 1 : i32
    scf.for %scan3A_70 = %scan3A_58 to %scan3A_60 step %scan3A_61  : i32 {
      %mul3A_71 = arith.constant 16 : i32
      %mul3A_72 = arith.muli %scan3A_70, %mul3A_71 : i32
      %add3A_73 = vector.broadcast %mul3A_72 : i32 to vector<16xi32>
      %add3A_74 = arith.addi %add3A_73, %iota3A : vector<16xi32>
      %shift_right_logical3A = arith.constant 3 : i32
      %shift_right_logical3A_75 = vector.broadcast %shift_right_logical3A : i32 to vector<16xi32>
      %shift_right_logical3A_76 = arith.shrui %add3A_74, %shift_right_logical3A_75 : vector<16xi32>
      %and3A_77 = arith.constant 7 : i32
      %and3A_78 = vector.broadcast %and3A_77 : i32 to vector<16xi32>
      %and3A_79 = arith.andi %add3A_74, %and3A_78 : vector<16xi32>
      %gather3A = tpu.vector_load_idx %arg14[%shift_right_logical3A_76, %and3A_79] : memref<640x8xf32, #tpu.memory_space<vmem>>[vector<16xi32>, vector<16xi32>], vector<16xf32>,
      %add3A_80 = arith.constant 9.99999971E-10 : f32
      %add3A_81 = vector.broadcast %add3A_80 : f32 to vector<16xf32>
      %add3A_82 = arith.addf %gather3A, %add3A_81 : vector<16xf32>
      %div3A_83 = arith.constant 1.000000e+00 : f32
      %div3A_84 = vector.broadcast %div3A_83 : f32 to vector<16xf32>
      %div3A_85 = arith.divf %div3A_84, %add3A_82 : vector<16xf32>
      tpu.vector_store_idx %arg14[%shift_right_logical3A_76, %and3A_79], %div3A_85 : memref<640x8xf32, #tpu.memory_space<vmem>>[vector<16xi32>, vector<16xi32>], vector<16xf32>,
    }
    %scan3A_62 = arith.constant 320 : i32
    "tpu.region"() ({
      %run_scoped3A = tpu.sem_alloc : memref<!tpu.dma_semaphore, #tpu.memory_space<semaphore_mem>>
      %dma_start3A = arith.constant 0 : i32
      %dma_start3A_70 = tpu.memref_slice %arg17[%mul3A_1, %dma_start3A] : memref<10240x8xf32, #tpu.memory_space<vmem_shared>> -> memref<640x8xf32, #tpu.memory_space<vmem_shared>>
      %dma_start3A_71 = arith.constant 0 : i32
      %dma_start3A_72 = tpu.memref_slice %arg17[%mul3A_1, %dma_start3A_71] : memref<10240x8xf32, #tpu.memory_space<vmem_shared>> -> memref<640x8xf32, #tpu.memory_space<vmem_shared>>
      tpu.enqueue_dma source(%arg14 : memref<640x8xf32, #tpu.memory_space<vmem>>) target(%dma_start3A_72 : memref<640x8xf32, #tpu.memory_space<vmem_shared>>) target_semaphore(%run_scoped3A : memref<!tpu.dma_semaphore, #tpu.memory_space<semaphore_mem>>)
      %dma_wait3A = arith.constant 0 : i32
      %dma_wait3A_73 = tpu.memref_slice %arg17[%mul3A_1, %dma_wait3A] : memref<10240x8xf32, #tpu.memory_space<vmem_shared>> -> memref<640x8xf32, #tpu.memory_space<vmem_shared>>
      %dma_wait3A_74 = arith.constant 0 : i32
      %dma_wait3A_75 = tpu.memref_slice %arg17[%mul3A_1, %dma_wait3A_74] : memref<10240x8xf32, #tpu.memory_space<vmem_shared>> -> memref<640x8xf32, #tpu.memory_space<vmem_shared>>
      tpu.wait_dma2 semaphore(%run_scoped3A : memref<!tpu.dma_semaphore, #tpu.memory_space<semaphore_mem>>) src(%arg14 : memref<640x8xf32, #tpu.memory_space<vmem>>) dst(%dma_wait3A_75 : memref<640x8xf32, #tpu.memory_space<vmem_shared>>)
      tpu.yield
    }) : () -> ()
    %barrier3A_63 = arith.constant 0 : index
    tpu.barrier barrier_id(%barrier3A_63)
    %scan3A_64 = arith.constant 0 : i32
    %scan3A_65 = arith.constant 0 : i32
    %scan3A_66 = arith.constant 10 : i32
    %scan3A_67 = arith.addi %scan3A_65, %scan3A_66 : i32
    %scan3A_68 = arith.constant 1 : i32
    scf.for %scan3A_70 = %scan3A_65 to %scan3A_67 step %scan3A_68  : i32 {
      %mul3A_71 = arith.constant 2000 : i32
      %mul3A_72 = arith.muli %scan3A_70, %mul3A_71 : i32
      %add3A_73 = arith.addi %mul3A_8, %mul3A_72 : i32
      %mul3A_74 = arith.constant 125 : i32
      %mul3A_75 = arith.muli %scan3A_70, %mul3A_74 : i32
      %scan3A_76 = arith.constant 0 : i32
      %scan3A_77 = arith.constant 0 : i32
      %scan3A_78 = arith.constant 125 : i32
      %scan3A_79 = arith.addi %scan3A_77, %scan3A_78 : i32
      %scan3A_80 = arith.constant 1 : i32
      scf.for %scan3A_114 = %scan3A_77 to %scan3A_79 step %scan3A_80  : i32 {
        %add3A_115 = arith.addi %mul3A_75, %scan3A_114 : i32
        %broadcast_in_dim3A_116 = vector.broadcast %add3A_115 : i32 to vector<16xi32>
        %mul3A_117 = arith.constant 16 : i32
        %mul3A_118 = arith.muli %scan3A_114, %mul3A_117 : i32
        %add3A_119 = vector.broadcast %mul3A_118 : i32 to vector<16xi32>
        %add3A_120 = arith.addi %add3A_119, %iota3A : vector<16xi32>
        %gather3A = tpu.vector_load_idx %arg6[%broadcast_in_dim3A_116, %iota3A] : memref<1250x16xi32, #tpu.memory_space<vmem>>[vector<16xi32>, vector<16xi32>], vector<16xi32>,
        tpu.vector_store_idx %arg8[%add3A_120], %gather3A : memref<2000xi32, #tpu.memory_space<vmem>>[vector<16xi32>], vector<16xi32>,
        %mul3A_121 = arith.constant 16 : i32
        %mul3A_122 = arith.muli %scan3A_114, %mul3A_121 : i32
        %add3A_123 = vector.broadcast %mul3A_122 : i32 to vector<16xi32>
        %add3A_124 = arith.addi %add3A_123, %iota3A : vector<16xi32>
        %gather3A_125 = tpu.vector_load_idx %arg7[%broadcast_in_dim3A_116, %iota3A] : memref<1250x16xi32, #tpu.memory_space<vmem>>[vector<16xi32>, vector<16xi32>], vector<16xi32>,
        tpu.vector_store_idx %arg9[%add3A_124], %gather3A_125 : memref<2000xi32, #tpu.memory_space<vmem>>[vector<16xi32>], vector<16xi32>,
      }
      %scan3A_81 = arith.constant 125 : i32
      "tpu.region"() ({
        %run_scoped3A = tpu.sem_alloc : memref<!tpu.dma_semaphore, #tpu.memory_space<semaphore_mem>>
        %dma_start3A = arith.constant 0 : i32
        %dma_start3A_114 = arith.constant 0 : i32
        %dma_start3A_115 = tpu.memref_slice %arg15[%dma_start3A, %dma_start3A_114] : memref<10240x8xf32, #tpu.memory_space<vmem_shared>> -> memref<10240x8xf32, #tpu.memory_space<vmem_shared>>
        tpu.enqueue_indirect_dma source(%dma_start3A_115 : memref<10240x8xf32, #tpu.memory_space<vmem_shared>>) target(%arg10 : memref<2000x8xf32, #tpu.memory_space<vmem>>) offsets(%arg8 : memref<2000xi32, #tpu.memory_space<vmem>>) semaphore(%run_scoped3A : memref<!tpu.dma_semaphore, #tpu.memory_space<semaphore_mem>>)
        %dma_wait3A = arith.constant 0 : i32
        %dma_wait3A_116 = arith.constant 0 : i32
        %dma_wait3A_117 = tpu.memref_slice %arg15[%dma_wait3A, %dma_wait3A_116] : memref<10240x8xf32, #tpu.memory_space<vmem_shared>> -> memref<10240x8xf32, #tpu.memory_space<vmem_shared>>
        tpu.wait_indirect_dma semaphore(%run_scoped3A : memref<!tpu.dma_semaphore, #tpu.memory_space<semaphore_mem>>) src(%dma_wait3A_117 : memref<10240x8xf32, #tpu.memory_space<vmem_shared>>) dst(%arg10 : memref<2000x8xf32, #tpu.memory_space<vmem>>)
        tpu.yield
      }) : () -> ()
      "tpu.region"() ({
        %run_scoped3A = tpu.sem_alloc : memref<!tpu.dma_semaphore, #tpu.memory_space<semaphore_mem>>
        %dma_start3A = arith.constant 0 : i32
        %dma_start3A_114 = arith.constant 0 : i32
        %dma_start3A_115 = tpu.memref_slice %arg16[%dma_start3A, %dma_start3A_114] : memref<10240x8xf32, #tpu.memory_space<vmem_shared>> -> memref<10240x8xf32, #tpu.memory_space<vmem_shared>>
        tpu.enqueue_indirect_dma source(%dma_start3A_115 : memref<10240x8xf32, #tpu.memory_space<vmem_shared>>) target(%arg11 : memref<2000x8xf32, #tpu.memory_space<vmem>>) offsets(%arg9 : memref<2000xi32, #tpu.memory_space<vmem>>) semaphore(%run_scoped3A : memref<!tpu.dma_semaphore, #tpu.memory_space<semaphore_mem>>)
        %dma_wait3A = arith.constant 0 : i32
        %dma_wait3A_116 = arith.constant 0 : i32
        %dma_wait3A_117 = tpu.memref_slice %arg16[%dma_wait3A, %dma_wait3A_116] : memref<10240x8xf32, #tpu.memory_space<vmem_shared>> -> memref<10240x8xf32, #tpu.memory_space<vmem_shared>>
        tpu.wait_indirect_dma semaphore(%run_scoped3A : memref<!tpu.dma_semaphore, #tpu.memory_space<semaphore_mem>>) src(%dma_wait3A_117 : memref<10240x8xf32, #tpu.memory_space<vmem_shared>>) dst(%arg11 : memref<2000x8xf32, #tpu.memory_space<vmem>>)
        tpu.yield
      }) : () -> ()
      "tpu.region"() ({
        %run_scoped3A = tpu.sem_alloc : memref<!tpu.dma_semaphore, #tpu.memory_space<semaphore_mem>>
        %dma_start3A = arith.constant 0 : i32
        %dma_start3A_114 = arith.constant 0 : i32
        %dma_start3A_115 = tpu.memref_slice %arg17[%dma_start3A, %dma_start3A_114] : memref<10240x8xf32, #tpu.memory_space<vmem_shared>> -> memref<10240x8xf32, #tpu.memory_space<vmem_shared>>
        tpu.enqueue_indirect_dma source(%dma_start3A_115 : memref<10240x8xf32, #tpu.memory_space<vmem_shared>>) target(%arg12 : memref<2000x8xf32, #tpu.memory_space<vmem>>) offsets(%arg9 : memref<2000xi32, #tpu.memory_space<vmem>>) semaphore(%run_scoped3A : memref<!tpu.dma_semaphore, #tpu.memory_space<semaphore_mem>>)
        %dma_wait3A = arith.constant 0 : i32
        %dma_wait3A_116 = arith.constant 0 : i32
        %dma_wait3A_117 = tpu.memref_slice %arg17[%dma_wait3A, %dma_wait3A_116] : memref<10240x8xf32, #tpu.memory_space<vmem_shared>> -> memref<10240x8xf32, #tpu.memory_space<vmem_shared>>
        tpu.wait_indirect_dma semaphore(%run_scoped3A : memref<!tpu.dma_semaphore, #tpu.memory_space<semaphore_mem>>) src(%dma_wait3A_117 : memref<10240x8xf32, #tpu.memory_space<vmem_shared>>) dst(%arg12 : memref<2000x8xf32, #tpu.memory_space<vmem>>)
        tpu.yield
      }) : () -> ()
      %scan3A_82 = arith.constant 0 : i32
      %scan3A_83 = arith.constant 0 : i32
      %scan3A_84 = arith.constant 1000 : i32
      %scan3A_85 = arith.addi %scan3A_83, %scan3A_84 : i32
      %scan3A_86 = arith.constant 1 : i32
      scf.for %scan3A_114 = %scan3A_83 to %scan3A_85 step %scan3A_86  : i32 {
        %mul3A_115 = arith.constant 16 : i32
        %mul3A_116 = arith.muli %scan3A_114, %mul3A_115 : i32
        %add3A_117 = vector.broadcast %mul3A_116 : i32 to vector<16xi32>
        %add3A_118 = arith.addi %add3A_117, %iota3A : vector<16xi32>
        %shift_right_logical3A = arith.constant 3 : i32
        %shift_right_logical3A_119 = vector.broadcast %shift_right_logical3A : i32 to vector<16xi32>
        %shift_right_logical3A_120 = arith.shrui %add3A_118, %shift_right_logical3A_119 : vector<16xi32>
        %and3A_121 = arith.constant 7 : i32
        %and3A_122 = vector.broadcast %and3A_121 : i32 to vector<16xi32>
        %and3A_123 = arith.andi %add3A_118, %and3A_122 : vector<16xi32>
        %gather3A = tpu.vector_load_idx %arg10[%shift_right_logical3A_120, %and3A_123] : memref<2000x8xf32, #tpu.memory_space<vmem>>[vector<16xi32>, vector<16xi32>], vector<16xf32>,
        %gather3A_124 = tpu.vector_load_idx %arg11[%shift_right_logical3A_120, %and3A_123] : memref<2000x8xf32, #tpu.memory_space<vmem>>[vector<16xi32>, vector<16xi32>], vector<16xf32>,
        %add3A_125 = arith.addf %gather3A, %gather3A_124 : vector<16xf32>
        %lt3A = arith.constant 0.000000e+00 : f32
        %lt3A_126 = vector.broadcast %lt3A : f32 to vector<16xf32>
        %lt3A_127 = arith.cmpf olt, %add3A_125, %lt3A_126 : vector<16xf32>
        %mul3A_128 = arith.constant 2.000000e-01 : f32
        %mul3A_129 = vector.broadcast %mul3A_128 : f32 to vector<16xf32>
        %mul3A_130 = arith.mulf %add3A_125, %mul3A_129 : vector<16xf32>
        %select_n3A_131 = arith.select %lt3A_127, %mul3A_130, %add3A_125 : vector<16xi1>, vector<16xf32>
        %exp3A = math.exp %select_n3A_131 : vector<16xf32>
        %gather3A_132 = tpu.vector_load_idx %arg12[%shift_right_logical3A_120, %and3A_123] : memref<2000x8xf32, #tpu.memory_space<vmem>>[vector<16xi32>, vector<16xi32>], vector<16xf32>,
        %mul3A_133 = arith.mulf %exp3A, %gather3A_132 : vector<16xf32>
        %shift_right_logical3A_134 = arith.constant 7 : i32
        %shift_right_logical3A_135 = vector.broadcast %shift_right_logical3A_134 : i32 to vector<16xi32>
        %shift_right_logical3A_136 = arith.shrui %add3A_118, %shift_right_logical3A_135 : vector<16xi32>
        %and3A_137 = arith.constant 127 : i32
        %and3A_138 = vector.broadcast %and3A_137 : i32 to vector<16xi32>
        %and3A_139 = arith.andi %add3A_118, %and3A_138 : vector<16xi32>
        tpu.vector_store_idx %arg13[%shift_right_logical3A_136, %and3A_139], %mul3A_133 : memref<125x128xf32, #tpu.memory_space<vmem>>[vector<16xi32>, vector<16xi32>], vector<16xf32>,
      }
      %scan3A_87 = arith.constant 1000 : i32
      %mul3A_88 = arith.constant 8 : i32
      %mul3A_89 = arith.muli %add3A_73, %mul3A_88 : i32
      %jit3A_90 = arith.constant 128 : i32
      %div3A_91 = arith.divsi %mul3A_89, %jit3A_90 : i32
      %sign3A_92 = arith.constant 0 : i32
      %sign3A_93 = arith.cmpi sgt, %mul3A_89, %sign3A_92 : i32
      %sign3A_94 = arith.extui %sign3A_93 : i1 to i32
      %sign3A_95 = arith.constant 0 : i32
      %sign3A_96 = arith.cmpi slt, %mul3A_89, %sign3A_95 : i32
      %sign3A_97 = arith.extui %sign3A_96 : i1 to i32
      %sign3A_98 = arith.subi %sign3A_94, %sign3A_97 : i32
      %sign3A_99 = arith.constant 0 : i32
      %sign3A_100 = arith.cmpi sgt, %jit3A_90, %sign3A_99 : i32
      %sign3A_101 = arith.extui %sign3A_100 : i1 to i32
      %sign3A_102 = arith.constant 0 : i32
      %sign3A_103 = arith.cmpi slt, %jit3A_90, %sign3A_102 : i32
      %sign3A_104 = arith.extui %sign3A_103 : i1 to i32
      %sign3A_105 = arith.subi %sign3A_101, %sign3A_104 : i32
      %ne3A_106 = arith.cmpi ne, %sign3A_98, %sign3A_105 : i32
      %rem3A_107 = arith.remsi %mul3A_89, %jit3A_90 : i32
      %ne3A_108 = arith.constant 0 : i32
      %ne3A_109 = arith.cmpi ne, %rem3A_107, %ne3A_108 : i32
      %and3A_110 = arith.andi %ne3A_106, %ne3A_109 : i1
      %sub3A_111 = arith.constant 1 : i32
      %sub3A_112 = arith.subi %div3A_91, %sub3A_111 : i32
      %select_n3A_113 = arith.select %and3A_110, %sub3A_112, %div3A_91 : i32
      "tpu.region"() ({
        %run_scoped3A = tpu.sem_alloc : memref<!tpu.dma_semaphore, #tpu.memory_space<semaphore_mem>>
        %dma_start3A = arith.constant 0 : i32
        %dma_start3A_114 = tpu.memref_slice %arg5[%select_n3A_113, %dma_start3A] : memref<20000x128xf32, #tpu.memory_space<hbm>> -> memref<125x128xf32, #tpu.memory_space<hbm>>
        %dma_start3A_115 = arith.constant 0 : i32
        %dma_start3A_116 = tpu.memref_slice %arg5[%select_n3A_113, %dma_start3A_115] : memref<20000x128xf32, #tpu.memory_space<hbm>> -> memref<125x128xf32, #tpu.memory_space<hbm>>
        tpu.enqueue_dma source(%arg13 : memref<125x128xf32, #tpu.memory_space<vmem>>) target(%dma_start3A_116 : memref<125x128xf32, #tpu.memory_space<hbm>>) target_semaphore(%run_scoped3A : memref<!tpu.dma_semaphore, #tpu.memory_space<semaphore_mem>>)
        %dma_wait3A = arith.constant 0 : i32
        %dma_wait3A_117 = tpu.memref_slice %arg5[%select_n3A_113, %dma_wait3A] : memref<20000x128xf32, #tpu.memory_space<hbm>> -> memref<125x128xf32, #tpu.memory_space<hbm>>
        %dma_wait3A_118 = arith.constant 0 : i32
        %dma_wait3A_119 = tpu.memref_slice %arg5[%select_n3A_113, %dma_wait3A_118] : memref<20000x128xf32, #tpu.memory_space<hbm>> -> memref<125x128xf32, #tpu.memory_space<hbm>>
        tpu.wait_dma2 semaphore(%run_scoped3A : memref<!tpu.dma_semaphore, #tpu.memory_space<semaphore_mem>>) src(%arg13 : memref<125x128xf32, #tpu.memory_space<vmem>>) dst(%dma_wait3A_119 : memref<125x128xf32, #tpu.memory_space<hbm>>)
        tpu.yield
      }) : () -> ()
    }
    %scan3A_69 = arith.constant 10 : i32
    return
  }
}

#map = affine_map<(d0, d1) -> (0, 0)>
module attributes {stable_mosaic.version = 14 : i64} {
  func.func @kb(%arg0: i32, %arg1: i32, %arg2: memref<10240x64xf32, #tpu.memory_space<hbm>>, %arg3: memref<10240x64xf32, #tpu.memory_space<hbm>>, %arg4: memref<20000x128xf32, #tpu.memory_space<hbm>>, %arg5: memref<40000x16xi32, #tpu.memory_space<hbm>>, %arg6: memref<10240x64xf32, #tpu.memory_space<hbm>>, %arg7: memref<10240x64xf32, #tpu.memory_space<hbm>>, %arg8: memref<25x16xi32, #tpu.memory_space<vmem>>, %arg9: memref<25x16xi32, #tpu.memory_space<vmem>>, %arg10: memref<400xi32, #tpu.memory_space<vmem>>, %arg11: memref<400xi32, #tpu.memory_space<vmem>>, %arg12: memref<400x64xf32, #tpu.memory_space<vmem>>, %arg13: memref<400x64xf32, #tpu.memory_space<vmem>>, %arg14: memref<25x128xf32, #tpu.memory_space<vmem>>, %arg15: memref<128x64xf32, #tpu.memory_space<vmem>>, %arg16: memref<10240x64xf32, #tpu.memory_space<vmem_shared>>) attributes {dimension_semantics = [#tpu.dimension_semantics<core_parallel>, #tpu.dimension_semantics<subcore_parallel>], iteration_bounds = array<i64: 2, 16>, scalar_prefetch = 0 : i64, scratch_operands = 9 : i64, tpu.core_type = #tpu.core_type<sc_vector_subcore>, window_params = [{transform_indices = #map}, {transform_indices = #map}, {transform_indices = #map}, {transform_indices = #map}, {transform_indices = #map}, {transform_indices = #map}]} {
    %iota3A = tpu.iota {dimensions = array<i32: 0>} : vector<16xi32>
    %broadcast_in_dim3A = arith.constant 0.000000e+00 : f32
    %broadcast_in_dim3A_0 = vector.broadcast %broadcast_in_dim3A : f32 to vector<16xf32>
    %mul3A = arith.constant 20000 : i32
    %mul3A_1 = arith.muli %arg1, %mul3A : i32
    %broadcast_in_dim3A_2 = arith.constant 0 : i32
    %broadcast_in_dim3A_3 = vector.broadcast %broadcast_in_dim3A_2 : i32 to vector<16xi32>
    %add3A = arith.addi %broadcast_in_dim3A_3, %iota3A : vector<16xi32>
    %broadcast_in_dim3A_4 = arith.constant 16 : i32
    %broadcast_in_dim3A_5 = vector.broadcast %broadcast_in_dim3A_4 : i32 to vector<16xi32>
    %add3A_6 = arith.addi %broadcast_in_dim3A_5, %iota3A : vector<16xi32>
    %broadcast_in_dim3A_7 = arith.constant 32 : i32
    %broadcast_in_dim3A_8 = vector.broadcast %broadcast_in_dim3A_7 : i32 to vector<16xi32>
    %add3A_9 = arith.addi %broadcast_in_dim3A_8, %iota3A : vector<16xi32>
    %broadcast_in_dim3A_10 = arith.constant 48 : i32
    %broadcast_in_dim3A_11 = vector.broadcast %broadcast_in_dim3A_10 : i32 to vector<16xi32>
    %add3A_12 = arith.addi %broadcast_in_dim3A_11, %iota3A : vector<16xi32>
    %scan3A = arith.constant 0 : i32
    %scan3A_13 = arith.constant 0 : i32
    %scan3A_14 = arith.constant 512 : i32
    %scan3A_15 = arith.addi %scan3A_13, %scan3A_14 : i32
    %scan3A_16 = arith.constant 1 : i32
    scf.for %scan3A_25 = %scan3A_13 to %scan3A_15 step %scan3A_16  : i32 {
      %mul3A_26 = arith.constant 16 : i32
      %mul3A_27 = arith.muli %scan3A_25, %mul3A_26 : i32
      %add3A_28 = vector.broadcast %mul3A_27 : i32 to vector<16xi32>
      %add3A_29 = arith.addi %add3A_28, %iota3A : vector<16xi32>
      %shift_right_logical3A = arith.constant 6 : i32
      %shift_right_logical3A_30 = vector.broadcast %shift_right_logical3A : i32 to vector<16xi32>
      %shift_right_logical3A_31 = arith.shrui %add3A_29, %shift_right_logical3A_30 : vector<16xi32>
      %and3A = arith.constant 63 : i32
      %and3A_32 = vector.broadcast %and3A : i32 to vector<16xi32>
      %and3A_33 = arith.andi %add3A_29, %and3A_32 : vector<16xi32>
      tpu.vector_store_idx %arg15[%shift_right_logical3A_31, %and3A_33], %broadcast_in_dim3A_0 : memref<128x64xf32, #tpu.memory_space<vmem>>[vector<16xi32>, vector<16xi32>], vector<16xf32>,
    }
    %scan3A_17 = arith.constant 512 : i32
    %eq3A = arith.constant 0 : i32
    %eq3A_18 = arith.cmpi eq, %arg0, %eq3A : i32
    %convert_element_type3A = arith.extui %eq3A_18 : i1 to i32
    %cond3A = arith.constant 0 : i32
    %cond3A_19 = arith.cmpi ne, %convert_element_type3A, %cond3A : i32
    scf.if %cond3A_19 {
      %scan3A_25 = arith.constant 0 : i32
      %scan3A_26 = arith.constant 0 : i32
      %scan3A_27 = arith.constant 5 : i32
      %scan3A_28 = arith.addi %scan3A_26, %scan3A_27 : i32
      %scan3A_29 = arith.constant 1 : i32
      scf.for %scan3A_44 = %scan3A_26 to %scan3A_28 step %scan3A_29  : i32 {
        %mul3A_45 = arith.constant 640 : i32
        %mul3A_46 = arith.muli %arg1, %mul3A_45 : i32
        %mul3A_47 = arith.constant 128 : i32
        %mul3A_48 = arith.muli %scan3A_44, %mul3A_47 : i32
        %add3A_49 = arith.addi %mul3A_46, %mul3A_48 : i32
        "tpu.region"() ({
          %run_scoped3A = tpu.sem_alloc : memref<!tpu.dma_semaphore, #tpu.memory_space<semaphore_mem>>
          %dma_start3A = arith.constant 0 : i32
          %dma_start3A_50 = tpu.memref_slice %arg16[%add3A_49, %dma_start3A] : memref<10240x64xf32, #tpu.memory_space<vmem_shared>> -> memref<128x64xf32, #tpu.memory_space<vmem_shared>>
          %dma_start3A_51 = arith.constant 0 : i32
          %dma_start3A_52 = tpu.memref_slice %arg16[%add3A_49, %dma_start3A_51] : memref<10240x64xf32, #tpu.memory_space<vmem_shared>> -> memref<128x64xf32, #tpu.memory_space<vmem_shared>>
          tpu.enqueue_dma source(%arg15 : memref<128x64xf32, #tpu.memory_space<vmem>>) target(%dma_start3A_52 : memref<128x64xf32, #tpu.memory_space<vmem_shared>>) target_semaphore(%run_scoped3A : memref<!tpu.dma_semaphore, #tpu.memory_space<semaphore_mem>>)
          %dma_wait3A = arith.constant 0 : i32
          %dma_wait3A_53 = tpu.memref_slice %arg16[%add3A_49, %dma_wait3A] : memref<10240x64xf32, #tpu.memory_space<vmem_shared>> -> memref<128x64xf32, #tpu.memory_space<vmem_shared>>
          %dma_wait3A_54 = arith.constant 0 : i32
          %dma_wait3A_55 = tpu.memref_slice %arg16[%add3A_49, %dma_wait3A_54] : memref<10240x64xf32, #tpu.memory_space<vmem_shared>> -> memref<128x64xf32, #tpu.memory_space<vmem_shared>>
          tpu.wait_dma2 semaphore(%run_scoped3A : memref<!tpu.dma_semaphore, #tpu.memory_space<semaphore_mem>>) src(%arg15 : memref<128x64xf32, #tpu.memory_space<vmem>>) dst(%dma_wait3A_55 : memref<128x64xf32, #tpu.memory_space<vmem_shared>>)
          tpu.yield
        }) : () -> ()
      }
      %scan3A_30 = arith.constant 5 : i32
      %barrier3A = arith.constant 0 : index
      tpu.barrier barrier_id(%barrier3A)
      %scan3A_31 = arith.constant 0 : i32
      %scan3A_32 = arith.constant 0 : i32
      %scan3A_33 = arith.constant 50 : i32
      %scan3A_34 = arith.addi %scan3A_32, %scan3A_33 : i32
      %scan3A_35 = arith.constant 1 : i32
      scf.for %scan3A_44 = %scan3A_32 to %scan3A_34 step %scan3A_35  : i32 {
        %mul3A_45 = arith.constant 400 : i32
        %mul3A_46 = arith.muli %scan3A_44, %mul3A_45 : i32
        %add3A_47 = arith.addi %mul3A_1, %mul3A_46 : i32
        %jit3A = arith.constant 16 : i32
        %div3A = arith.divsi %add3A_47, %jit3A : i32
        %sign3A = arith.constant 0 : i32
        %sign3A_48 = arith.cmpi sgt, %add3A_47, %sign3A : i32
        %sign3A_49 = arith.extui %sign3A_48 : i1 to i32
        %sign3A_50 = arith.constant 0 : i32
        %sign3A_51 = arith.cmpi slt, %add3A_47, %sign3A_50 : i32
        %sign3A_52 = arith.extui %sign3A_51 : i1 to i32
        %sign3A_53 = arith.subi %sign3A_49, %sign3A_52 : i32
        %sign3A_54 = arith.constant 0 : i32
        %sign3A_55 = arith.cmpi sgt, %jit3A, %sign3A_54 : i32
        %sign3A_56 = arith.extui %sign3A_55 : i1 to i32
        %sign3A_57 = arith.constant 0 : i32
        %sign3A_58 = arith.cmpi slt, %jit3A, %sign3A_57 : i32
        %sign3A_59 = arith.extui %sign3A_58 : i1 to i32
        %sign3A_60 = arith.subi %sign3A_56, %sign3A_59 : i32
        %ne3A = arith.cmpi ne, %sign3A_53, %sign3A_60 : i32
        %rem3A = arith.remsi %add3A_47, %jit3A : i32
        %ne3A_61 = arith.constant 0 : i32
        %ne3A_62 = arith.cmpi ne, %rem3A, %ne3A_61 : i32
        %and3A = arith.andi %ne3A, %ne3A_62 : i1
        %sub3A = arith.constant 1 : i32
        %sub3A_63 = arith.subi %div3A, %sub3A : i32
        %select_n3A = arith.select %and3A, %sub3A_63, %div3A : i32
        "tpu.region"() ({
          %run_scoped3A = tpu.sem_alloc : memref<!tpu.dma_semaphore, #tpu.memory_space<semaphore_mem>>
          %dma_start3A = arith.constant 0 : i32
          %dma_start3A_128 = tpu.memref_slice %arg5[%select_n3A, %dma_start3A] : memref<40000x16xi32, #tpu.memory_space<hbm>> -> memref<25x16xi32, #tpu.memory_space<hbm>>
          %dma_start3A_129 = arith.constant 0 : i32
          %dma_start3A_130 = tpu.memref_slice %arg5[%select_n3A, %dma_start3A_129] : memref<40000x16xi32, #tpu.memory_space<hbm>> -> memref<25x16xi32, #tpu.memory_space<hbm>>
          tpu.enqueue_dma source(%dma_start3A_130 : memref<25x16xi32, #tpu.memory_space<hbm>>) target(%arg8 : memref<25x16xi32, #tpu.memory_space<vmem>>) target_semaphore(%run_scoped3A : memref<!tpu.dma_semaphore, #tpu.memory_space<semaphore_mem>>)
          %dma_wait3A = arith.constant 0 : i32
          %dma_wait3A_131 = tpu.memref_slice %arg5[%select_n3A, %dma_wait3A] : memref<40000x16xi32, #tpu.memory_space<hbm>> -> memref<25x16xi32, #tpu.memory_space<hbm>>
          %dma_wait3A_132 = arith.constant 0 : i32
          %dma_wait3A_133 = tpu.memref_slice %arg5[%select_n3A, %dma_wait3A_132] : memref<40000x16xi32, #tpu.memory_space<hbm>> -> memref<25x16xi32, #tpu.memory_space<hbm>>
          tpu.wait_dma2 semaphore(%run_scoped3A : memref<!tpu.dma_semaphore, #tpu.memory_space<semaphore_mem>>) src(%dma_wait3A_133 : memref<25x16xi32, #tpu.memory_space<hbm>>) dst(%arg8 : memref<25x16xi32, #tpu.memory_space<vmem>>)
          tpu.yield
        }) : () -> ()
        %jit3A_64 = arith.constant 16 : i32
        %div3A_65 = arith.divsi %add3A_47, %jit3A_64 : i32
        %sign3A_66 = arith.constant 0 : i32
        %sign3A_67 = arith.cmpi sgt, %add3A_47, %sign3A_66 : i32
        %sign3A_68 = arith.extui %sign3A_67 : i1 to i32
        %sign3A_69 = arith.constant 0 : i32
        %sign3A_70 = arith.cmpi slt, %add3A_47, %sign3A_69 : i32
        %sign3A_71 = arith.extui %sign3A_70 : i1 to i32
        %sign3A_72 = arith.subi %sign3A_68, %sign3A_71 : i32
        %sign3A_73 = arith.constant 0 : i32
        %sign3A_74 = arith.cmpi sgt, %jit3A_64, %sign3A_73 : i32
        %sign3A_75 = arith.extui %sign3A_74 : i1 to i32
        %sign3A_76 = arith.constant 0 : i32
        %sign3A_77 = arith.cmpi slt, %jit3A_64, %sign3A_76 : i32
        %sign3A_78 = arith.extui %sign3A_77 : i1 to i32
        %sign3A_79 = arith.subi %sign3A_75, %sign3A_78 : i32
        %ne3A_80 = arith.cmpi ne, %sign3A_72, %sign3A_79 : i32
        %rem3A_81 = arith.remsi %add3A_47, %jit3A_64 : i32
        %ne3A_82 = arith.constant 0 : i32
        %ne3A_83 = arith.cmpi ne, %rem3A_81, %ne3A_82 : i32
        %and3A_84 = arith.andi %ne3A_80, %ne3A_83 : i1
        %sub3A_85 = arith.constant 1 : i32
        %sub3A_86 = arith.subi %div3A_65, %sub3A_85 : i32
        %select_n3A_87 = arith.select %and3A_84, %sub3A_86, %div3A_65 : i32
        %add3A_88 = arith.constant 20000 : i32
        %add3A_89 = arith.addi %add3A_88, %select_n3A_87 : i32
        "tpu.region"() ({
          %run_scoped3A = tpu.sem_alloc : memref<!tpu.dma_semaphore, #tpu.memory_space<semaphore_mem>>
          %dma_start3A = arith.constant 0 : i32
          %dma_start3A_128 = tpu.memref_slice %arg5[%add3A_89, %dma_start3A] : memref<40000x16xi32, #tpu.memory_space<hbm>> -> memref<25x16xi32, #tpu.memory_space<hbm>>
          %dma_start3A_129 = arith.constant 0 : i32
          %dma_start3A_130 = tpu.memref_slice %arg5[%add3A_89, %dma_start3A_129] : memref<40000x16xi32, #tpu.memory_space<hbm>> -> memref<25x16xi32, #tpu.memory_space<hbm>>
          tpu.enqueue_dma source(%dma_start3A_130 : memref<25x16xi32, #tpu.memory_space<hbm>>) target(%arg9 : memref<25x16xi32, #tpu.memory_space<vmem>>) target_semaphore(%run_scoped3A : memref<!tpu.dma_semaphore, #tpu.memory_space<semaphore_mem>>)
          %dma_wait3A = arith.constant 0 : i32
          %dma_wait3A_131 = tpu.memref_slice %arg5[%add3A_89, %dma_wait3A] : memref<40000x16xi32, #tpu.memory_space<hbm>> -> memref<25x16xi32, #tpu.memory_space<hbm>>
          %dma_wait3A_132 = arith.constant 0 : i32
          %dma_wait3A_133 = tpu.memref_slice %arg5[%add3A_89, %dma_wait3A_132] : memref<40000x16xi32, #tpu.memory_space<hbm>> -> memref<25x16xi32, #tpu.memory_space<hbm>>
          tpu.wait_dma2 semaphore(%run_scoped3A : memref<!tpu.dma_semaphore, #tpu.memory_space<semaphore_mem>>) src(%dma_wait3A_133 : memref<25x16xi32, #tpu.memory_space<hbm>>) dst(%arg9 : memref<25x16xi32, #tpu.memory_space<vmem>>)
          tpu.yield
        }) : () -> ()
        %scan3A_90 = arith.constant 0 : i32
        %scan3A_91 = arith.constant 0 : i32
        %scan3A_92 = arith.constant 25 : i32
        %scan3A_93 = arith.addi %scan3A_91, %scan3A_92 : i32
        %scan3A_94 = arith.constant 1 : i32
        scf.for %scan3A_128 = %scan3A_91 to %scan3A_93 step %scan3A_94  : i32 {
          %broadcast_in_dim3A_129 = vector.broadcast %scan3A_128 : i32 to vector<16xi32>
          %mul3A_130 = arith.constant 16 : i32
          %mul3A_131 = arith.muli %scan3A_128, %mul3A_130 : i32
          %add3A_132 = vector.broadcast %mul3A_131 : i32 to vector<16xi32>
          %add3A_133 = arith.addi %add3A_132, %iota3A : vector<16xi32>
          %gather3A = tpu.vector_load_idx %arg8[%broadcast_in_dim3A_129, %iota3A] : memref<25x16xi32, #tpu.memory_space<vmem>>[vector<16xi32>, vector<16xi32>], vector<16xi32>,
          tpu.vector_store_idx %arg10[%add3A_133], %gather3A : memref<400xi32, #tpu.memory_space<vmem>>[vector<16xi32>], vector<16xi32>,
          %mul3A_134 = arith.constant 16 : i32
          %mul3A_135 = arith.muli %scan3A_128, %mul3A_134 : i32
          %add3A_136 = vector.broadcast %mul3A_135 : i32 to vector<16xi32>
          %add3A_137 = arith.addi %add3A_136, %iota3A : vector<16xi32>
          %gather3A_138 = tpu.vector_load_idx %arg9[%broadcast_in_dim3A_129, %iota3A] : memref<25x16xi32, #tpu.memory_space<vmem>>[vector<16xi32>, vector<16xi32>], vector<16xi32>,
          tpu.vector_store_idx %arg11[%add3A_137], %gather3A_138 : memref<400xi32, #tpu.memory_space<vmem>>[vector<16xi32>], vector<16xi32>,
        }
        %scan3A_95 = arith.constant 25 : i32
        "tpu.region"() ({
          %run_scoped3A = tpu.sem_alloc : memref<!tpu.dma_semaphore, #tpu.memory_space<semaphore_mem>>
          %dma_start3A = arith.constant 0 : i32
          %dma_start3A_128 = arith.constant 0 : i32
          %dma_start3A_129 = tpu.memref_slice %arg2[%dma_start3A, %dma_start3A_128] : memref<10240x64xf32, #tpu.memory_space<hbm>> -> memref<10240x64xf32, #tpu.memory_space<hbm>>
          tpu.enqueue_indirect_dma source(%dma_start3A_129 : memref<10240x64xf32, #tpu.memory_space<hbm>>) target(%arg12 : memref<400x64xf32, #tpu.memory_space<vmem>>) offsets(%arg10 : memref<400xi32, #tpu.memory_space<vmem>>) semaphore(%run_scoped3A : memref<!tpu.dma_semaphore, #tpu.memory_space<semaphore_mem>>)
          %dma_wait3A = arith.constant 0 : i32
          %dma_wait3A_130 = arith.constant 0 : i32
          %dma_wait3A_131 = tpu.memref_slice %arg2[%dma_wait3A, %dma_wait3A_130] : memref<10240x64xf32, #tpu.memory_space<hbm>> -> memref<10240x64xf32, #tpu.memory_space<hbm>>
          tpu.wait_indirect_dma semaphore(%run_scoped3A : memref<!tpu.dma_semaphore, #tpu.memory_space<semaphore_mem>>) src(%dma_wait3A_131 : memref<10240x64xf32, #tpu.memory_space<hbm>>) dst(%arg12 : memref<400x64xf32, #tpu.memory_space<vmem>>)
          tpu.yield
        }) : () -> ()
        %mul3A_96 = arith.constant 8 : i32
        %mul3A_97 = arith.muli %add3A_47, %mul3A_96 : i32
        %jit3A_98 = arith.constant 128 : i32
        %div3A_99 = arith.divsi %mul3A_97, %jit3A_98 : i32
        %sign3A_100 = arith.constant 0 : i32
        %sign3A_101 = arith.cmpi sgt, %mul3A_97, %sign3A_100 : i32
        %sign3A_102 = arith.extui %sign3A_101 : i1 to i32
        %sign3A_103 = arith.constant 0 : i32
        %sign3A_104 = arith.cmpi slt, %mul3A_97, %sign3A_103 : i32
        %sign3A_105 = arith.extui %sign3A_104 : i1 to i32
        %sign3A_106 = arith.subi %sign3A_102, %sign3A_105 : i32
        %sign3A_107 = arith.constant 0 : i32
        %sign3A_108 = arith.cmpi sgt, %jit3A_98, %sign3A_107 : i32
        %sign3A_109 = arith.extui %sign3A_108 : i1 to i32
        %sign3A_110 = arith.constant 0 : i32
        %sign3A_111 = arith.cmpi slt, %jit3A_98, %sign3A_110 : i32
        %sign3A_112 = arith.extui %sign3A_111 : i1 to i32
        %sign3A_113 = arith.subi %sign3A_109, %sign3A_112 : i32
        %ne3A_114 = arith.cmpi ne, %sign3A_106, %sign3A_113 : i32
        %rem3A_115 = arith.remsi %mul3A_97, %jit3A_98 : i32
        %ne3A_116 = arith.constant 0 : i32
        %ne3A_117 = arith.cmpi ne, %rem3A_115, %ne3A_116 : i32
        %and3A_118 = arith.andi %ne3A_114, %ne3A_117 : i1
        %sub3A_119 = arith.constant 1 : i32
        %sub3A_120 = arith.subi %div3A_99, %sub3A_119 : i32
        %select_n3A_121 = arith.select %and3A_118, %sub3A_120, %div3A_99 : i32
        "tpu.region"() ({
          %run_scoped3A = tpu.sem_alloc : memref<!tpu.dma_semaphore, #tpu.memory_space<semaphore_mem>>
          %dma_start3A = arith.constant 0 : i32
          %dma_start3A_128 = tpu.memref_slice %arg4[%select_n3A_121, %dma_start3A] : memref<20000x128xf32, #tpu.memory_space<hbm>> -> memref<25x128xf32, #tpu.memory_space<hbm>>
          %dma_start3A_129 = arith.constant 0 : i32
          %dma_start3A_130 = tpu.memref_slice %arg4[%select_n3A_121, %dma_start3A_129] : memref<20000x128xf32, #tpu.memory_space<hbm>> -> memref<25x128xf32, #tpu.memory_space<hbm>>
          tpu.enqueue_dma source(%dma_start3A_130 : memref<25x128xf32, #tpu.memory_space<hbm>>) target(%arg14 : memref<25x128xf32, #tpu.memory_space<vmem>>) target_semaphore(%run_scoped3A : memref<!tpu.dma_semaphore, #tpu.memory_space<semaphore_mem>>)
          %dma_wait3A = arith.constant 0 : i32
          %dma_wait3A_131 = tpu.memref_slice %arg4[%select_n3A_121, %dma_wait3A] : memref<20000x128xf32, #tpu.memory_space<hbm>> -> memref<25x128xf32, #tpu.memory_space<hbm>>
          %dma_wait3A_132 = arith.constant 0 : i32
          %dma_wait3A_133 = tpu.memref_slice %arg4[%select_n3A_121, %dma_wait3A_132] : memref<20000x128xf32, #tpu.memory_space<hbm>> -> memref<25x128xf32, #tpu.memory_space<hbm>>
          tpu.wait_dma2 semaphore(%run_scoped3A : memref<!tpu.dma_semaphore, #tpu.memory_space<semaphore_mem>>) src(%dma_wait3A_133 : memref<25x128xf32, #tpu.memory_space<hbm>>) dst(%arg14 : memref<25x128xf32, #tpu.memory_space<vmem>>)
          tpu.yield
        }) : () -> ()
        %scan3A_122 = arith.constant 0 : i32
        %scan3A_123 = arith.constant 0 : i32
        %scan3A_124 = arith.constant 400 : i32
        %scan3A_125 = arith.addi %scan3A_123, %scan3A_124 : i32
        %scan3A_126 = arith.constant 1 : i32
        scf.for %scan3A_128 = %scan3A_123 to %scan3A_125 step %scan3A_126  : i32 {
          %broadcast_in_dim3A_129 = vector.broadcast %scan3A_128 : i32 to vector<16xi32>
          %mul3A_130 = arith.constant 8 : i32
          %mul3A_131 = arith.muli %scan3A_128, %mul3A_130 : i32
          %add3A_132 = arith.constant 0 : i32
          %add3A_133 = arith.addi %mul3A_131, %add3A_132 : i32
          %shift_right_logical3A = arith.constant 7 : i32
          %shift_right_logical3A_134 = arith.shrui %add3A_133, %shift_right_logical3A : i32
          %broadcast_in_dim3A_135 = vector.broadcast %shift_right_logical3A_134 : i32 to vector<16xi32>
          %and3A_136 = arith.constant 127 : i32
          %and3A_137 = arith.andi %add3A_133, %and3A_136 : i32
          %add3A_138 = arith.constant 0 : i32
          %add3A_139 = arith.addi %and3A_137, %add3A_138 : i32
          %broadcast_in_dim3A_140 = vector.broadcast %add3A_139 : i32 to vector<16xi32>
          %gather3A = tpu.vector_load_idx %arg14[%broadcast_in_dim3A_135, %broadcast_in_dim3A_140] : memref<25x128xf32, #tpu.memory_space<vmem>>[vector<16xi32>, vector<16xi32>], vector<16xf32>,
          %gather3A_141 = tpu.vector_load_idx %arg12[%broadcast_in_dim3A_129, %add3A] : memref<400x64xf32, #tpu.memory_space<vmem>>[vector<16xi32>, vector<16xi32>], vector<16xf32>,
          %mul3A_142 = arith.mulf %gather3A_141, %gather3A : vector<16xf32>
          tpu.vector_store_idx %arg13[%broadcast_in_dim3A_129, %add3A], %mul3A_142 : memref<400x64xf32, #tpu.memory_space<vmem>>[vector<16xi32>, vector<16xi32>], vector<16xf32>,
          %add3A_143 = arith.constant 1 : i32
          %add3A_144 = arith.addi %and3A_137, %add3A_143 : i32
          %broadcast_in_dim3A_145 = vector.broadcast %add3A_144 : i32 to vector<16xi32>
          %gather3A_146 = tpu.vector_load_idx %arg14[%broadcast_in_dim3A_135, %broadcast_in_dim3A_145] : memref<25x128xf32, #tpu.memory_space<vmem>>[vector<16xi32>, vector<16xi32>], vector<16xf32>,
          %gather3A_147 = tpu.vector_load_idx %arg12[%broadcast_in_dim3A_129, %add3A_6] : memref<400x64xf32, #tpu.memory_space<vmem>>[vector<16xi32>, vector<16xi32>], vector<16xf32>,
          %mul3A_148 = arith.mulf %gather3A_147, %gather3A_146 : vector<16xf32>
          tpu.vector_store_idx %arg13[%broadcast_in_dim3A_129, %add3A_6], %mul3A_148 : memref<400x64xf32, #tpu.memory_space<vmem>>[vector<16xi32>, vector<16xi32>], vector<16xf32>,
          %add3A_149 = arith.constant 2 : i32
          %add3A_150 = arith.addi %and3A_137, %add3A_149 : i32
          %broadcast_in_dim3A_151 = vector.broadcast %add3A_150 : i32 to vector<16xi32>
          %gather3A_152 = tpu.vector_load_idx %arg14[%broadcast_in_dim3A_135, %broadcast_in_dim3A_151] : memref<25x128xf32, #tpu.memory_space<vmem>>[vector<16xi32>, vector<16xi32>], vector<16xf32>,
          %gather3A_153 = tpu.vector_load_idx %arg12[%broadcast_in_dim3A_129, %add3A_9] : memref<400x64xf32, #tpu.memory_space<vmem>>[vector<16xi32>, vector<16xi32>], vector<16xf32>,
          %mul3A_154 = arith.mulf %gather3A_153, %gather3A_152 : vector<16xf32>
          tpu.vector_store_idx %arg13[%broadcast_in_dim3A_129, %add3A_9], %mul3A_154 : memref<400x64xf32, #tpu.memory_space<vmem>>[vector<16xi32>, vector<16xi32>], vector<16xf32>,
          %add3A_155 = arith.constant 3 : i32
          %add3A_156 = arith.addi %and3A_137, %add3A_155 : i32
          %broadcast_in_dim3A_157 = vector.broadcast %add3A_156 : i32 to vector<16xi32>
          %gather3A_158 = tpu.vector_load_idx %arg14[%broadcast_in_dim3A_135, %broadcast_in_dim3A_157] : memref<25x128xf32, #tpu.memory_space<vmem>>[vector<16xi32>, vector<16xi32>], vector<16xf32>,
          %gather3A_159 = tpu.vector_load_idx %arg12[%broadcast_in_dim3A_129, %add3A_12] : memref<400x64xf32, #tpu.memory_space<vmem>>[vector<16xi32>, vector<16xi32>], vector<16xf32>,
          %mul3A_160 = arith.mulf %gather3A_159, %gather3A_158 : vector<16xf32>
          tpu.vector_store_idx %arg13[%broadcast_in_dim3A_129, %add3A_12], %mul3A_160 : memref<400x64xf32, #tpu.memory_space<vmem>>[vector<16xi32>, vector<16xi32>], vector<16xf32>,
        }
        %scan3A_127 = arith.constant 400 : i32
        "tpu.region"() ({
          %run_scoped3A = tpu.sem_alloc : memref<!tpu.dma_semaphore, #tpu.memory_space<semaphore_mem>>
          %dma_start3A = arith.constant 0 : i32
          %dma_start3A_128 = arith.constant 0 : i32
          %dma_start3A_129 = tpu.memref_slice %arg16[%dma_start3A, %dma_start3A_128] : memref<10240x64xf32, #tpu.memory_space<vmem_shared>> -> memref<10240x64xf32, #tpu.memory_space<vmem_shared>>
          tpu.enqueue_indirect_dma source(%arg13 : memref<400x64xf32, #tpu.memory_space<vmem>>) target(%dma_start3A_129 : memref<10240x64xf32, #tpu.memory_space<vmem_shared>>) offsets(%arg11 : memref<400xi32, #tpu.memory_space<vmem>>) semaphore(%run_scoped3A : memref<!tpu.dma_semaphore, #tpu.memory_space<semaphore_mem>>) {add = true}
          %dma_wait3A = arith.constant 0 : i32
          %dma_wait3A_130 = arith.constant 0 : i32
          %dma_wait3A_131 = tpu.memref_slice %arg16[%dma_wait3A, %dma_wait3A_130] : memref<10240x64xf32, #tpu.memory_space<vmem_shared>> -> memref<10240x64xf32, #tpu.memory_space<vmem_shared>>
          tpu.wait_indirect_dma semaphore(%run_scoped3A : memref<!tpu.dma_semaphore, #tpu.memory_space<semaphore_mem>>) src(%arg13 : memref<400x64xf32, #tpu.memory_space<vmem>>) dst(%dma_wait3A_131 : memref<10240x64xf32, #tpu.memory_space<vmem_shared>>)
          tpu.yield
        }) : () -> ()
      }
      %scan3A_36 = arith.constant 50 : i32
      %barrier3A_37 = arith.constant 0 : index
      tpu.barrier barrier_id(%barrier3A_37)
      %scan3A_38 = arith.constant 0 : i32
      %scan3A_39 = arith.constant 0 : i32
      %scan3A_40 = arith.constant 5 : i32
      %scan3A_41 = arith.addi %scan3A_39, %scan3A_40 : i32
      %scan3A_42 = arith.constant 1 : i32
      scf.for %scan3A_44 = %scan3A_39 to %scan3A_41 step %scan3A_42  : i32 {
        %mul3A_45 = arith.constant 640 : i32
        %mul3A_46 = arith.muli %arg1, %mul3A_45 : i32
        %mul3A_47 = arith.constant 128 : i32
        %mul3A_48 = arith.muli %scan3A_44, %mul3A_47 : i32
        %add3A_49 = arith.addi %mul3A_46, %mul3A_48 : i32
        "tpu.region"() ({
          %run_scoped3A = tpu.sem_alloc : memref<!tpu.dma_semaphore, #tpu.memory_space<semaphore_mem>>
          %dma_start3A = arith.constant 0 : i32
          %dma_start3A_50 = tpu.memref_slice %arg16[%add3A_49, %dma_start3A] : memref<10240x64xf32, #tpu.memory_space<vmem_shared>> -> memref<128x64xf32, #tpu.memory_space<vmem_shared>>
          %dma_start3A_51 = arith.constant 0 : i32
          %dma_start3A_52 = tpu.memref_slice %arg16[%add3A_49, %dma_start3A_51] : memref<10240x64xf32, #tpu.memory_space<vmem_shared>> -> memref<128x64xf32, #tpu.memory_space<vmem_shared>>
          tpu.enqueue_dma source(%dma_start3A_52 : memref<128x64xf32, #tpu.memory_space<vmem_shared>>) target(%arg15 : memref<128x64xf32, #tpu.memory_space<vmem>>) target_semaphore(%run_scoped3A : memref<!tpu.dma_semaphore, #tpu.memory_space<semaphore_mem>>)
          %dma_wait3A = arith.constant 0 : i32
          %dma_wait3A_53 = tpu.memref_slice %arg16[%add3A_49, %dma_wait3A] : memref<10240x64xf32, #tpu.memory_space<vmem_shared>> -> memref<128x64xf32, #tpu.memory_space<vmem_shared>>
          %dma_wait3A_54 = arith.constant 0 : i32
          %dma_wait3A_55 = tpu.memref_slice %arg16[%add3A_49, %dma_wait3A_54] : memref<10240x64xf32, #tpu.memory_space<vmem_shared>> -> memref<128x64xf32, #tpu.memory_space<vmem_shared>>
          tpu.wait_dma2 semaphore(%run_scoped3A : memref<!tpu.dma_semaphore, #tpu.memory_space<semaphore_mem>>) src(%dma_wait3A_55 : memref<128x64xf32, #tpu.memory_space<vmem_shared>>) dst(%arg15 : memref<128x64xf32, #tpu.memory_space<vmem>>)
          tpu.yield
        }) : () -> ()
        "tpu.region"() ({
          %run_scoped3A = tpu.sem_alloc : memref<!tpu.dma_semaphore, #tpu.memory_space<semaphore_mem>>
          %dma_start3A = arith.constant 0 : i32
          %dma_start3A_50 = tpu.memref_slice %arg6[%add3A_49, %dma_start3A] : memref<10240x64xf32, #tpu.memory_space<hbm>> -> memref<128x64xf32, #tpu.memory_space<hbm>>
          %dma_start3A_51 = arith.constant 0 : i32
          %dma_start3A_52 = tpu.memref_slice %arg6[%add3A_49, %dma_start3A_51] : memref<10240x64xf32, #tpu.memory_space<hbm>> -> memref<128x64xf32, #tpu.memory_space<hbm>>
          tpu.enqueue_dma source(%arg15 : memref<128x64xf32, #tpu.memory_space<vmem>>) target(%dma_start3A_52 : memref<128x64xf32, #tpu.memory_space<hbm>>) target_semaphore(%run_scoped3A : memref<!tpu.dma_semaphore, #tpu.memory_space<semaphore_mem>>)
          %dma_wait3A = arith.constant 0 : i32
          %dma_wait3A_53 = tpu.memref_slice %arg6[%add3A_49, %dma_wait3A] : memref<10240x64xf32, #tpu.memory_space<hbm>> -> memref<128x64xf32, #tpu.memory_space<hbm>>
          %dma_wait3A_54 = arith.constant 0 : i32
          %dma_wait3A_55 = tpu.memref_slice %arg6[%add3A_49, %dma_wait3A_54] : memref<10240x64xf32, #tpu.memory_space<hbm>> -> memref<128x64xf32, #tpu.memory_space<hbm>>
          tpu.wait_dma2 semaphore(%run_scoped3A : memref<!tpu.dma_semaphore, #tpu.memory_space<semaphore_mem>>) src(%arg15 : memref<128x64xf32, #tpu.memory_space<vmem>>) dst(%dma_wait3A_55 : memref<128x64xf32, #tpu.memory_space<hbm>>)
          tpu.yield
        }) : () -> ()
      }
      %scan3A_43 = arith.constant 5 : i32
    } else {
    }
    %eq3A_20 = arith.constant 1 : i32
    %eq3A_21 = arith.cmpi eq, %arg0, %eq3A_20 : i32
    %convert_element_type3A_22 = arith.extui %eq3A_21 : i1 to i32
    %cond3A_23 = arith.constant 0 : i32
    %cond3A_24 = arith.cmpi ne, %convert_element_type3A_22, %cond3A_23 : i32
    scf.if %cond3A_24 {
      %scan3A_25 = arith.constant 0 : i32
      %scan3A_26 = arith.constant 0 : i32
      %scan3A_27 = arith.constant 5 : i32
      %scan3A_28 = arith.addi %scan3A_26, %scan3A_27 : i32
      %scan3A_29 = arith.constant 1 : i32
      scf.for %scan3A_44 = %scan3A_26 to %scan3A_28 step %scan3A_29  : i32 {
        %mul3A_45 = arith.constant 640 : i32
        %mul3A_46 = arith.muli %arg1, %mul3A_45 : i32
        %mul3A_47 = arith.constant 128 : i32
        %mul3A_48 = arith.muli %scan3A_44, %mul3A_47 : i32
        %add3A_49 = arith.addi %mul3A_46, %mul3A_48 : i32
        "tpu.region"() ({
          %run_scoped3A = tpu.sem_alloc : memref<!tpu.dma_semaphore, #tpu.memory_space<semaphore_mem>>
          %dma_start3A = arith.constant 0 : i32
          %dma_start3A_50 = tpu.memref_slice %arg16[%add3A_49, %dma_start3A] : memref<10240x64xf32, #tpu.memory_space<vmem_shared>> -> memref<128x64xf32, #tpu.memory_space<vmem_shared>>
          %dma_start3A_51 = arith.constant 0 : i32
          %dma_start3A_52 = tpu.memref_slice %arg16[%add3A_49, %dma_start3A_51] : memref<10240x64xf32, #tpu.memory_space<vmem_shared>> -> memref<128x64xf32, #tpu.memory_space<vmem_shared>>
          tpu.enqueue_dma source(%arg15 : memref<128x64xf32, #tpu.memory_space<vmem>>) target(%dma_start3A_52 : memref<128x64xf32, #tpu.memory_space<vmem_shared>>) target_semaphore(%run_scoped3A : memref<!tpu.dma_semaphore, #tpu.memory_space<semaphore_mem>>)
          %dma_wait3A = arith.constant 0 : i32
          %dma_wait3A_53 = tpu.memref_slice %arg16[%add3A_49, %dma_wait3A] : memref<10240x64xf32, #tpu.memory_space<vmem_shared>> -> memref<128x64xf32, #tpu.memory_space<vmem_shared>>
          %dma_wait3A_54 = arith.constant 0 : i32
          %dma_wait3A_55 = tpu.memref_slice %arg16[%add3A_49, %dma_wait3A_54] : memref<10240x64xf32, #tpu.memory_space<vmem_shared>> -> memref<128x64xf32, #tpu.memory_space<vmem_shared>>
          tpu.wait_dma2 semaphore(%run_scoped3A : memref<!tpu.dma_semaphore, #tpu.memory_space<semaphore_mem>>) src(%arg15 : memref<128x64xf32, #tpu.memory_space<vmem>>) dst(%dma_wait3A_55 : memref<128x64xf32, #tpu.memory_space<vmem_shared>>)
          tpu.yield
        }) : () -> ()
      }
      %scan3A_30 = arith.constant 5 : i32
      %barrier3A = arith.constant 0 : index
      tpu.barrier barrier_id(%barrier3A)
      %scan3A_31 = arith.constant 0 : i32
      %scan3A_32 = arith.constant 0 : i32
      %scan3A_33 = arith.constant 50 : i32
      %scan3A_34 = arith.addi %scan3A_32, %scan3A_33 : i32
      %scan3A_35 = arith.constant 1 : i32
      scf.for %scan3A_44 = %scan3A_32 to %scan3A_34 step %scan3A_35  : i32 {
        %mul3A_45 = arith.constant 400 : i32
        %mul3A_46 = arith.muli %scan3A_44, %mul3A_45 : i32
        %add3A_47 = arith.addi %mul3A_1, %mul3A_46 : i32
        %jit3A = arith.constant 16 : i32
        %div3A = arith.divsi %add3A_47, %jit3A : i32
        %sign3A = arith.constant 0 : i32
        %sign3A_48 = arith.cmpi sgt, %add3A_47, %sign3A : i32
        %sign3A_49 = arith.extui %sign3A_48 : i1 to i32
        %sign3A_50 = arith.constant 0 : i32
        %sign3A_51 = arith.cmpi slt, %add3A_47, %sign3A_50 : i32
        %sign3A_52 = arith.extui %sign3A_51 : i1 to i32
        %sign3A_53 = arith.subi %sign3A_49, %sign3A_52 : i32
        %sign3A_54 = arith.constant 0 : i32
        %sign3A_55 = arith.cmpi sgt, %jit3A, %sign3A_54 : i32
        %sign3A_56 = arith.extui %sign3A_55 : i1 to i32
        %sign3A_57 = arith.constant 0 : i32
        %sign3A_58 = arith.cmpi slt, %jit3A, %sign3A_57 : i32
        %sign3A_59 = arith.extui %sign3A_58 : i1 to i32
        %sign3A_60 = arith.subi %sign3A_56, %sign3A_59 : i32
        %ne3A = arith.cmpi ne, %sign3A_53, %sign3A_60 : i32
        %rem3A = arith.remsi %add3A_47, %jit3A : i32
        %ne3A_61 = arith.constant 0 : i32
        %ne3A_62 = arith.cmpi ne, %rem3A, %ne3A_61 : i32
        %and3A = arith.andi %ne3A, %ne3A_62 : i1
        %sub3A = arith.constant 1 : i32
        %sub3A_63 = arith.subi %div3A, %sub3A : i32
        %select_n3A = arith.select %and3A, %sub3A_63, %div3A : i32
        "tpu.region"() ({
          %run_scoped3A = tpu.sem_alloc : memref<!tpu.dma_semaphore, #tpu.memory_space<semaphore_mem>>
          %dma_start3A = arith.constant 0 : i32
          %dma_start3A_128 = tpu.memref_slice %arg5[%select_n3A, %dma_start3A] : memref<40000x16xi32, #tpu.memory_space<hbm>> -> memref<25x16xi32, #tpu.memory_space<hbm>>
          %dma_start3A_129 = arith.constant 0 : i32
          %dma_start3A_130 = tpu.memref_slice %arg5[%select_n3A, %dma_start3A_129] : memref<40000x16xi32, #tpu.memory_space<hbm>> -> memref<25x16xi32, #tpu.memory_space<hbm>>
          tpu.enqueue_dma source(%dma_start3A_130 : memref<25x16xi32, #tpu.memory_space<hbm>>) target(%arg8 : memref<25x16xi32, #tpu.memory_space<vmem>>) target_semaphore(%run_scoped3A : memref<!tpu.dma_semaphore, #tpu.memory_space<semaphore_mem>>)
          %dma_wait3A = arith.constant 0 : i32
          %dma_wait3A_131 = tpu.memref_slice %arg5[%select_n3A, %dma_wait3A] : memref<40000x16xi32, #tpu.memory_space<hbm>> -> memref<25x16xi32, #tpu.memory_space<hbm>>
          %dma_wait3A_132 = arith.constant 0 : i32
          %dma_wait3A_133 = tpu.memref_slice %arg5[%select_n3A, %dma_wait3A_132] : memref<40000x16xi32, #tpu.memory_space<hbm>> -> memref<25x16xi32, #tpu.memory_space<hbm>>
          tpu.wait_dma2 semaphore(%run_scoped3A : memref<!tpu.dma_semaphore, #tpu.memory_space<semaphore_mem>>) src(%dma_wait3A_133 : memref<25x16xi32, #tpu.memory_space<hbm>>) dst(%arg8 : memref<25x16xi32, #tpu.memory_space<vmem>>)
          tpu.yield
        }) : () -> ()
        %jit3A_64 = arith.constant 16 : i32
        %div3A_65 = arith.divsi %add3A_47, %jit3A_64 : i32
        %sign3A_66 = arith.constant 0 : i32
        %sign3A_67 = arith.cmpi sgt, %add3A_47, %sign3A_66 : i32
        %sign3A_68 = arith.extui %sign3A_67 : i1 to i32
        %sign3A_69 = arith.constant 0 : i32
        %sign3A_70 = arith.cmpi slt, %add3A_47, %sign3A_69 : i32
        %sign3A_71 = arith.extui %sign3A_70 : i1 to i32
        %sign3A_72 = arith.subi %sign3A_68, %sign3A_71 : i32
        %sign3A_73 = arith.constant 0 : i32
        %sign3A_74 = arith.cmpi sgt, %jit3A_64, %sign3A_73 : i32
        %sign3A_75 = arith.extui %sign3A_74 : i1 to i32
        %sign3A_76 = arith.constant 0 : i32
        %sign3A_77 = arith.cmpi slt, %jit3A_64, %sign3A_76 : i32
        %sign3A_78 = arith.extui %sign3A_77 : i1 to i32
        %sign3A_79 = arith.subi %sign3A_75, %sign3A_78 : i32
        %ne3A_80 = arith.cmpi ne, %sign3A_72, %sign3A_79 : i32
        %rem3A_81 = arith.remsi %add3A_47, %jit3A_64 : i32
        %ne3A_82 = arith.constant 0 : i32
        %ne3A_83 = arith.cmpi ne, %rem3A_81, %ne3A_82 : i32
        %and3A_84 = arith.andi %ne3A_80, %ne3A_83 : i1
        %sub3A_85 = arith.constant 1 : i32
        %sub3A_86 = arith.subi %div3A_65, %sub3A_85 : i32
        %select_n3A_87 = arith.select %and3A_84, %sub3A_86, %div3A_65 : i32
        %add3A_88 = arith.constant 20000 : i32
        %add3A_89 = arith.addi %add3A_88, %select_n3A_87 : i32
        "tpu.region"() ({
          %run_scoped3A = tpu.sem_alloc : memref<!tpu.dma_semaphore, #tpu.memory_space<semaphore_mem>>
          %dma_start3A = arith.constant 0 : i32
          %dma_start3A_128 = tpu.memref_slice %arg5[%add3A_89, %dma_start3A] : memref<40000x16xi32, #tpu.memory_space<hbm>> -> memref<25x16xi32, #tpu.memory_space<hbm>>
          %dma_start3A_129 = arith.constant 0 : i32
          %dma_start3A_130 = tpu.memref_slice %arg5[%add3A_89, %dma_start3A_129] : memref<40000x16xi32, #tpu.memory_space<hbm>> -> memref<25x16xi32, #tpu.memory_space<hbm>>
          tpu.enqueue_dma source(%dma_start3A_130 : memref<25x16xi32, #tpu.memory_space<hbm>>) target(%arg9 : memref<25x16xi32, #tpu.memory_space<vmem>>) target_semaphore(%run_scoped3A : memref<!tpu.dma_semaphore, #tpu.memory_space<semaphore_mem>>)
          %dma_wait3A = arith.constant 0 : i32
          %dma_wait3A_131 = tpu.memref_slice %arg5[%add3A_89, %dma_wait3A] : memref<40000x16xi32, #tpu.memory_space<hbm>> -> memref<25x16xi32, #tpu.memory_space<hbm>>
          %dma_wait3A_132 = arith.constant 0 : i32
          %dma_wait3A_133 = tpu.memref_slice %arg5[%add3A_89, %dma_wait3A_132] : memref<40000x16xi32, #tpu.memory_space<hbm>> -> memref<25x16xi32, #tpu.memory_space<hbm>>
          tpu.wait_dma2 semaphore(%run_scoped3A : memref<!tpu.dma_semaphore, #tpu.memory_space<semaphore_mem>>) src(%dma_wait3A_133 : memref<25x16xi32, #tpu.memory_space<hbm>>) dst(%arg9 : memref<25x16xi32, #tpu.memory_space<vmem>>)
          tpu.yield
        }) : () -> ()
        %scan3A_90 = arith.constant 0 : i32
        %scan3A_91 = arith.constant 0 : i32
        %scan3A_92 = arith.constant 25 : i32
        %scan3A_93 = arith.addi %scan3A_91, %scan3A_92 : i32
        %scan3A_94 = arith.constant 1 : i32
        scf.for %scan3A_128 = %scan3A_91 to %scan3A_93 step %scan3A_94  : i32 {
          %broadcast_in_dim3A_129 = vector.broadcast %scan3A_128 : i32 to vector<16xi32>
          %mul3A_130 = arith.constant 16 : i32
          %mul3A_131 = arith.muli %scan3A_128, %mul3A_130 : i32
          %add3A_132 = vector.broadcast %mul3A_131 : i32 to vector<16xi32>
          %add3A_133 = arith.addi %add3A_132, %iota3A : vector<16xi32>
          %gather3A = tpu.vector_load_idx %arg8[%broadcast_in_dim3A_129, %iota3A] : memref<25x16xi32, #tpu.memory_space<vmem>>[vector<16xi32>, vector<16xi32>], vector<16xi32>,
          tpu.vector_store_idx %arg10[%add3A_133], %gather3A : memref<400xi32, #tpu.memory_space<vmem>>[vector<16xi32>], vector<16xi32>,
          %mul3A_134 = arith.constant 16 : i32
          %mul3A_135 = arith.muli %scan3A_128, %mul3A_134 : i32
          %add3A_136 = vector.broadcast %mul3A_135 : i32 to vector<16xi32>
          %add3A_137 = arith.addi %add3A_136, %iota3A : vector<16xi32>
          %gather3A_138 = tpu.vector_load_idx %arg9[%broadcast_in_dim3A_129, %iota3A] : memref<25x16xi32, #tpu.memory_space<vmem>>[vector<16xi32>, vector<16xi32>], vector<16xi32>,
          tpu.vector_store_idx %arg11[%add3A_137], %gather3A_138 : memref<400xi32, #tpu.memory_space<vmem>>[vector<16xi32>], vector<16xi32>,
        }
        %scan3A_95 = arith.constant 25 : i32
        "tpu.region"() ({
          %run_scoped3A = tpu.sem_alloc : memref<!tpu.dma_semaphore, #tpu.memory_space<semaphore_mem>>
          %dma_start3A = arith.constant 0 : i32
          %dma_start3A_128 = arith.constant 0 : i32
          %dma_start3A_129 = tpu.memref_slice %arg3[%dma_start3A, %dma_start3A_128] : memref<10240x64xf32, #tpu.memory_space<hbm>> -> memref<10240x64xf32, #tpu.memory_space<hbm>>
          tpu.enqueue_indirect_dma source(%dma_start3A_129 : memref<10240x64xf32, #tpu.memory_space<hbm>>) target(%arg12 : memref<400x64xf32, #tpu.memory_space<vmem>>) offsets(%arg10 : memref<400xi32, #tpu.memory_space<vmem>>) semaphore(%run_scoped3A : memref<!tpu.dma_semaphore, #tpu.memory_space<semaphore_mem>>)
          %dma_wait3A = arith.constant 0 : i32
          %dma_wait3A_130 = arith.constant 0 : i32
          %dma_wait3A_131 = tpu.memref_slice %arg3[%dma_wait3A, %dma_wait3A_130] : memref<10240x64xf32, #tpu.memory_space<hbm>> -> memref<10240x64xf32, #tpu.memory_space<hbm>>
          tpu.wait_indirect_dma semaphore(%run_scoped3A : memref<!tpu.dma_semaphore, #tpu.memory_space<semaphore_mem>>) src(%dma_wait3A_131 : memref<10240x64xf32, #tpu.memory_space<hbm>>) dst(%arg12 : memref<400x64xf32, #tpu.memory_space<vmem>>)
          tpu.yield
        }) : () -> ()
        %mul3A_96 = arith.constant 8 : i32
        %mul3A_97 = arith.muli %add3A_47, %mul3A_96 : i32
        %jit3A_98 = arith.constant 128 : i32
        %div3A_99 = arith.divsi %mul3A_97, %jit3A_98 : i32
        %sign3A_100 = arith.constant 0 : i32
        %sign3A_101 = arith.cmpi sgt, %mul3A_97, %sign3A_100 : i32
        %sign3A_102 = arith.extui %sign3A_101 : i1 to i32
        %sign3A_103 = arith.constant 0 : i32
        %sign3A_104 = arith.cmpi slt, %mul3A_97, %sign3A_103 : i32
        %sign3A_105 = arith.extui %sign3A_104 : i1 to i32
        %sign3A_106 = arith.subi %sign3A_102, %sign3A_105 : i32
        %sign3A_107 = arith.constant 0 : i32
        %sign3A_108 = arith.cmpi sgt, %jit3A_98, %sign3A_107 : i32
        %sign3A_109 = arith.extui %sign3A_108 : i1 to i32
        %sign3A_110 = arith.constant 0 : i32
        %sign3A_111 = arith.cmpi slt, %jit3A_98, %sign3A_110 : i32
        %sign3A_112 = arith.extui %sign3A_111 : i1 to i32
        %sign3A_113 = arith.subi %sign3A_109, %sign3A_112 : i32
        %ne3A_114 = arith.cmpi ne, %sign3A_106, %sign3A_113 : i32
        %rem3A_115 = arith.remsi %mul3A_97, %jit3A_98 : i32
        %ne3A_116 = arith.constant 0 : i32
        %ne3A_117 = arith.cmpi ne, %rem3A_115, %ne3A_116 : i32
        %and3A_118 = arith.andi %ne3A_114, %ne3A_117 : i1
        %sub3A_119 = arith.constant 1 : i32
        %sub3A_120 = arith.subi %div3A_99, %sub3A_119 : i32
        %select_n3A_121 = arith.select %and3A_118, %sub3A_120, %div3A_99 : i32
        "tpu.region"() ({
          %run_scoped3A = tpu.sem_alloc : memref<!tpu.dma_semaphore, #tpu.memory_space<semaphore_mem>>
          %dma_start3A = arith.constant 0 : i32
          %dma_start3A_128 = tpu.memref_slice %arg4[%select_n3A_121, %dma_start3A] : memref<20000x128xf32, #tpu.memory_space<hbm>> -> memref<25x128xf32, #tpu.memory_space<hbm>>
          %dma_start3A_129 = arith.constant 0 : i32
          %dma_start3A_130 = tpu.memref_slice %arg4[%select_n3A_121, %dma_start3A_129] : memref<20000x128xf32, #tpu.memory_space<hbm>> -> memref<25x128xf32, #tpu.memory_space<hbm>>
          tpu.enqueue_dma source(%dma_start3A_130 : memref<25x128xf32, #tpu.memory_space<hbm>>) target(%arg14 : memref<25x128xf32, #tpu.memory_space<vmem>>) target_semaphore(%run_scoped3A : memref<!tpu.dma_semaphore, #tpu.memory_space<semaphore_mem>>)
          %dma_wait3A = arith.constant 0 : i32
          %dma_wait3A_131 = tpu.memref_slice %arg4[%select_n3A_121, %dma_wait3A] : memref<20000x128xf32, #tpu.memory_space<hbm>> -> memref<25x128xf32, #tpu.memory_space<hbm>>
          %dma_wait3A_132 = arith.constant 0 : i32
          %dma_wait3A_133 = tpu.memref_slice %arg4[%select_n3A_121, %dma_wait3A_132] : memref<20000x128xf32, #tpu.memory_space<hbm>> -> memref<25x128xf32, #tpu.memory_space<hbm>>
          tpu.wait_dma2 semaphore(%run_scoped3A : memref<!tpu.dma_semaphore, #tpu.memory_space<semaphore_mem>>) src(%dma_wait3A_133 : memref<25x128xf32, #tpu.memory_space<hbm>>) dst(%arg14 : memref<25x128xf32, #tpu.memory_space<vmem>>)
          tpu.yield
        }) : () -> ()
        %scan3A_122 = arith.constant 0 : i32
        %scan3A_123 = arith.constant 0 : i32
        %scan3A_124 = arith.constant 400 : i32
        %scan3A_125 = arith.addi %scan3A_123, %scan3A_124 : i32
        %scan3A_126 = arith.constant 1 : i32
        scf.for %scan3A_128 = %scan3A_123 to %scan3A_125 step %scan3A_126  : i32 {
          %broadcast_in_dim3A_129 = vector.broadcast %scan3A_128 : i32 to vector<16xi32>
          %mul3A_130 = arith.constant 8 : i32
          %mul3A_131 = arith.muli %scan3A_128, %mul3A_130 : i32
          %add3A_132 = arith.constant 4 : i32
          %add3A_133 = arith.addi %mul3A_131, %add3A_132 : i32
          %shift_right_logical3A = arith.constant 7 : i32
          %shift_right_logical3A_134 = arith.shrui %add3A_133, %shift_right_logical3A : i32
          %broadcast_in_dim3A_135 = vector.broadcast %shift_right_logical3A_134 : i32 to vector<16xi32>
          %and3A_136 = arith.constant 127 : i32
          %and3A_137 = arith.andi %add3A_133, %and3A_136 : i32
          %add3A_138 = arith.constant 0 : i32
          %add3A_139 = arith.addi %and3A_137, %add3A_138 : i32
          %broadcast_in_dim3A_140 = vector.broadcast %add3A_139 : i32 to vector<16xi32>
          %gather3A = tpu.vector_load_idx %arg14[%broadcast_in_dim3A_135, %broadcast_in_dim3A_140] : memref<25x128xf32, #tpu.memory_space<vmem>>[vector<16xi32>, vector<16xi32>], vector<16xf32>,
          %gather3A_141 = tpu.vector_load_idx %arg12[%broadcast_in_dim3A_129, %add3A] : memref<400x64xf32, #tpu.memory_space<vmem>>[vector<16xi32>, vector<16xi32>], vector<16xf32>,
          %mul3A_142 = arith.mulf %gather3A_141, %gather3A : vector<16xf32>
          tpu.vector_store_idx %arg13[%broadcast_in_dim3A_129, %add3A], %mul3A_142 : memref<400x64xf32, #tpu.memory_space<vmem>>[vector<16xi32>, vector<16xi32>], vector<16xf32>,
          %add3A_143 = arith.constant 1 : i32
          %add3A_144 = arith.addi %and3A_137, %add3A_143 : i32
          %broadcast_in_dim3A_145 = vector.broadcast %add3A_144 : i32 to vector<16xi32>
          %gather3A_146 = tpu.vector_load_idx %arg14[%broadcast_in_dim3A_135, %broadcast_in_dim3A_145] : memref<25x128xf32, #tpu.memory_space<vmem>>[vector<16xi32>, vector<16xi32>], vector<16xf32>,
          %gather3A_147 = tpu.vector_load_idx %arg12[%broadcast_in_dim3A_129, %add3A_6] : memref<400x64xf32, #tpu.memory_space<vmem>>[vector<16xi32>, vector<16xi32>], vector<16xf32>,
          %mul3A_148 = arith.mulf %gather3A_147, %gather3A_146 : vector<16xf32>
          tpu.vector_store_idx %arg13[%broadcast_in_dim3A_129, %add3A_6], %mul3A_148 : memref<400x64xf32, #tpu.memory_space<vmem>>[vector<16xi32>, vector<16xi32>], vector<16xf32>,
          %add3A_149 = arith.constant 2 : i32
          %add3A_150 = arith.addi %and3A_137, %add3A_149 : i32
          %broadcast_in_dim3A_151 = vector.broadcast %add3A_150 : i32 to vector<16xi32>
          %gather3A_152 = tpu.vector_load_idx %arg14[%broadcast_in_dim3A_135, %broadcast_in_dim3A_151] : memref<25x128xf32, #tpu.memory_space<vmem>>[vector<16xi32>, vector<16xi32>], vector<16xf32>,
          %gather3A_153 = tpu.vector_load_idx %arg12[%broadcast_in_dim3A_129, %add3A_9] : memref<400x64xf32, #tpu.memory_space<vmem>>[vector<16xi32>, vector<16xi32>], vector<16xf32>,
          %mul3A_154 = arith.mulf %gather3A_153, %gather3A_152 : vector<16xf32>
          tpu.vector_store_idx %arg13[%broadcast_in_dim3A_129, %add3A_9], %mul3A_154 : memref<400x64xf32, #tpu.memory_space<vmem>>[vector<16xi32>, vector<16xi32>], vector<16xf32>,
          %add3A_155 = arith.constant 3 : i32
          %add3A_156 = arith.addi %and3A_137, %add3A_155 : i32
          %broadcast_in_dim3A_157 = vector.broadcast %add3A_156 : i32 to vector<16xi32>
          %gather3A_158 = tpu.vector_load_idx %arg14[%broadcast_in_dim3A_135, %broadcast_in_dim3A_157] : memref<25x128xf32, #tpu.memory_space<vmem>>[vector<16xi32>, vector<16xi32>], vector<16xf32>,
          %gather3A_159 = tpu.vector_load_idx %arg12[%broadcast_in_dim3A_129, %add3A_12] : memref<400x64xf32, #tpu.memory_space<vmem>>[vector<16xi32>, vector<16xi32>], vector<16xf32>,
          %mul3A_160 = arith.mulf %gather3A_159, %gather3A_158 : vector<16xf32>
          tpu.vector_store_idx %arg13[%broadcast_in_dim3A_129, %add3A_12], %mul3A_160 : memref<400x64xf32, #tpu.memory_space<vmem>>[vector<16xi32>, vector<16xi32>], vector<16xf32>,
        }
        %scan3A_127 = arith.constant 400 : i32
        "tpu.region"() ({
          %run_scoped3A = tpu.sem_alloc : memref<!tpu.dma_semaphore, #tpu.memory_space<semaphore_mem>>
          %dma_start3A = arith.constant 0 : i32
          %dma_start3A_128 = arith.constant 0 : i32
          %dma_start3A_129 = tpu.memref_slice %arg16[%dma_start3A, %dma_start3A_128] : memref<10240x64xf32, #tpu.memory_space<vmem_shared>> -> memref<10240x64xf32, #tpu.memory_space<vmem_shared>>
          tpu.enqueue_indirect_dma source(%arg13 : memref<400x64xf32, #tpu.memory_space<vmem>>) target(%dma_start3A_129 : memref<10240x64xf32, #tpu.memory_space<vmem_shared>>) offsets(%arg11 : memref<400xi32, #tpu.memory_space<vmem>>) semaphore(%run_scoped3A : memref<!tpu.dma_semaphore, #tpu.memory_space<semaphore_mem>>) {add = true}
          %dma_wait3A = arith.constant 0 : i32
          %dma_wait3A_130 = arith.constant 0 : i32
          %dma_wait3A_131 = tpu.memref_slice %arg16[%dma_wait3A, %dma_wait3A_130] : memref<10240x64xf32, #tpu.memory_space<vmem_shared>> -> memref<10240x64xf32, #tpu.memory_space<vmem_shared>>
          tpu.wait_indirect_dma semaphore(%run_scoped3A : memref<!tpu.dma_semaphore, #tpu.memory_space<semaphore_mem>>) src(%arg13 : memref<400x64xf32, #tpu.memory_space<vmem>>) dst(%dma_wait3A_131 : memref<10240x64xf32, #tpu.memory_space<vmem_shared>>)
          tpu.yield
        }) : () -> ()
      }
      %scan3A_36 = arith.constant 50 : i32
      %barrier3A_37 = arith.constant 0 : index
      tpu.barrier barrier_id(%barrier3A_37)
      %scan3A_38 = arith.constant 0 : i32
      %scan3A_39 = arith.constant 0 : i32
      %scan3A_40 = arith.constant 5 : i32
      %scan3A_41 = arith.addi %scan3A_39, %scan3A_40 : i32
      %scan3A_42 = arith.constant 1 : i32
      scf.for %scan3A_44 = %scan3A_39 to %scan3A_41 step %scan3A_42  : i32 {
        %mul3A_45 = arith.constant 640 : i32
        %mul3A_46 = arith.muli %arg1, %mul3A_45 : i32
        %mul3A_47 = arith.constant 128 : i32
        %mul3A_48 = arith.muli %scan3A_44, %mul3A_47 : i32
        %add3A_49 = arith.addi %mul3A_46, %mul3A_48 : i32
        "tpu.region"() ({
          %run_scoped3A = tpu.sem_alloc : memref<!tpu.dma_semaphore, #tpu.memory_space<semaphore_mem>>
          %dma_start3A = arith.constant 0 : i32
          %dma_start3A_50 = tpu.memref_slice %arg16[%add3A_49, %dma_start3A] : memref<10240x64xf32, #tpu.memory_space<vmem_shared>> -> memref<128x64xf32, #tpu.memory_space<vmem_shared>>
          %dma_start3A_51 = arith.constant 0 : i32
          %dma_start3A_52 = tpu.memref_slice %arg16[%add3A_49, %dma_start3A_51] : memref<10240x64xf32, #tpu.memory_space<vmem_shared>> -> memref<128x64xf32, #tpu.memory_space<vmem_shared>>
          tpu.enqueue_dma source(%dma_start3A_52 : memref<128x64xf32, #tpu.memory_space<vmem_shared>>) target(%arg15 : memref<128x64xf32, #tpu.memory_space<vmem>>) target_semaphore(%run_scoped3A : memref<!tpu.dma_semaphore, #tpu.memory_space<semaphore_mem>>)
          %dma_wait3A = arith.constant 0 : i32
          %dma_wait3A_53 = tpu.memref_slice %arg16[%add3A_49, %dma_wait3A] : memref<10240x64xf32, #tpu.memory_space<vmem_shared>> -> memref<128x64xf32, #tpu.memory_space<vmem_shared>>
          %dma_wait3A_54 = arith.constant 0 : i32
          %dma_wait3A_55 = tpu.memref_slice %arg16[%add3A_49, %dma_wait3A_54] : memref<10240x64xf32, #tpu.memory_space<vmem_shared>> -> memref<128x64xf32, #tpu.memory_space<vmem_shared>>
          tpu.wait_dma2 semaphore(%run_scoped3A : memref<!tpu.dma_semaphore, #tpu.memory_space<semaphore_mem>>) src(%dma_wait3A_55 : memref<128x64xf32, #tpu.memory_space<vmem_shared>>) dst(%arg15 : memref<128x64xf32, #tpu.memory_space<vmem>>)
          tpu.yield
        }) : () -> ()
        "tpu.region"() ({
          %run_scoped3A = tpu.sem_alloc : memref<!tpu.dma_semaphore, #tpu.memory_space<semaphore_mem>>
          %dma_start3A = arith.constant 0 : i32
          %dma_start3A_50 = tpu.memref_slice %arg7[%add3A_49, %dma_start3A] : memref<10240x64xf32, #tpu.memory_space<hbm>> -> memref<128x64xf32, #tpu.memory_space<hbm>>
          %dma_start3A_51 = arith.constant 0 : i32
          %dma_start3A_52 = tpu.memref_slice %arg7[%add3A_49, %dma_start3A_51] : memref<10240x64xf32, #tpu.memory_space<hbm>> -> memref<128x64xf32, #tpu.memory_space<hbm>>
          tpu.enqueue_dma source(%arg15 : memref<128x64xf32, #tpu.memory_space<vmem>>) target(%dma_start3A_52 : memref<128x64xf32, #tpu.memory_space<hbm>>) target_semaphore(%run_scoped3A : memref<!tpu.dma_semaphore, #tpu.memory_space<semaphore_mem>>)
          %dma_wait3A = arith.constant 0 : i32
          %dma_wait3A_53 = tpu.memref_slice %arg7[%add3A_49, %dma_wait3A] : memref<10240x64xf32, #tpu.memory_space<hbm>> -> memref<128x64xf32, #tpu.memory_space<hbm>>
          %dma_wait3A_54 = arith.constant 0 : i32
          %dma_wait3A_55 = tpu.memref_slice %arg7[%add3A_49, %dma_wait3A_54] : memref<10240x64xf32, #tpu.memory_space<hbm>> -> memref<128x64xf32, #tpu.memory_space<hbm>>
          tpu.wait_dma2 semaphore(%run_scoped3A : memref<!tpu.dma_semaphore, #tpu.memory_space<semaphore_mem>>) src(%arg15 : memref<128x64xf32, #tpu.memory_space<vmem>>) dst(%dma_wait3A_55 : memref<128x64xf32, #tpu.memory_space<hbm>>)
          tpu.yield
        }) : () -> ()
      }
      %scan3A_43 = arith.constant 5 : i32
    } else {
    }
    return
  }
}

module attributes {stable_mosaic.version = 14 : i64} {
  func.func @_tc_body(%arg0: i32, %arg1: memref<640x128xf32, #tpu.memory_space<vmem>>, %arg2: memref<128x128xf32, #tpu.memory_space<vmem>>, %arg3: memref<128x8xf32, #tpu.memory_space<vmem>>, %arg4: memref<128x8xf32, #tpu.memory_space<vmem>>, %arg5: memref<640x128xf32, #tpu.memory_space<vmem>>, %arg6: memref<640x8xf32, #tpu.memory_space<vmem>>, %arg7: memref<640x8xf32, #tpu.memory_space<vmem>>) attributes {dimension_semantics = [#tpu.dimension_semantics<arbitrary>], iteration_bounds = array<i64: 16>, scalar_prefetch = 0 : i64, scratch_operands = 0 : i64, tpu.core_type = #tpu.core_type<tc>, window_params = [{transform_indices = @transform_0, window_bounds = array<i64: 640, 128>}, {pipeline_mode = #tpu.pipeline_mode<synchronous>, transform_indices = @transform_1, window_bounds = array<i64: 128, 128>}, {pipeline_mode = #tpu.pipeline_mode<synchronous>, transform_indices = @transform_2, window_bounds = array<i64: 128, 8>}, {pipeline_mode = #tpu.pipeline_mode<synchronous>, transform_indices = @transform_3, window_bounds = array<i64: 128, 8>}, {transform_indices = @transform_4, window_bounds = array<i64: 640, 128>}, {transform_indices = @transform_5, window_bounds = array<i64: 640, 8>}, {transform_indices = @transform_6, window_bounds = array<i64: 640, 8>}]} {
    %get3A = arith.constant 0 : index
    %get3A_0 = arith.constant 0 : index
    %get3A_1 = vector.load %arg1[%get3A, %get3A_0] : memref<640x128xf32, #tpu.memory_space<vmem>>, vector<640x128xf32>
    %get3A_2 = arith.constant 0 : index
    %get3A_3 = arith.constant 0 : index
    %get3A_4 = vector.load %arg2[%get3A_2, %get3A_3] : memref<128x128xf32, #tpu.memory_space<vmem>>, vector<128x128xf32>
    %dot_general3A = arith.constant dense<0.000000e+00> : vector<640x128xf32>
    %dot_general3A_5 = tpu.matmul %get3A_1, %get3A_4, %dot_general3A {dimension_numbers = #tpu.dot_dimension_numbers<[1], [0], [0], [1], [0, 0, 1, 1], [], []>, transpose_lhs_hint = false} : vector<640x128xf32>, vector<128x128xf32>, vector<640x128xf32> -> vector<640x128xf32>
    %swap3A = arith.constant 0 : index
    %swap3A_6 = arith.constant 0 : index
    %swap3A_7 = vector.load %arg5[%swap3A, %swap3A_6] : memref<640x128xf32, #tpu.memory_space<vmem>>, vector<640x128xf32>
    tpu.vector_store %arg5[%swap3A, %swap3A_6], %dot_general3A_5 {strides = array<i32>} : memref<640x128xf32, #tpu.memory_space<vmem>>, vector<640x128xf32>,
    %get3A_8 = arith.constant 0 : index
    %get3A_9 = arith.constant 0 : index
    %get3A_10 = vector.load %arg3[%get3A_8, %get3A_9] : memref<128x8xf32, #tpu.memory_space<vmem>>, vector<128x8xf32>
    %dot_general3A_11 = arith.constant dense<0.000000e+00> : vector<640x8xf32>
    %dot_general3A_12 = tpu.matmul %dot_general3A_5, %get3A_10, %dot_general3A_11 {dimension_numbers = #tpu.dot_dimension_numbers<[1], [0], [0], [1], [0, 0, 1, 1], [], []>, transpose_lhs_hint = false} : vector<640x128xf32>, vector<128x8xf32>, vector<640x8xf32> -> vector<640x8xf32>
    %swap3A_13 = arith.constant 0 : index
    %swap3A_14 = arith.constant 0 : index
    %swap3A_15 = vector.load %arg6[%swap3A_13, %swap3A_14] : memref<640x8xf32, #tpu.memory_space<vmem>>, vector<640x8xf32>
    tpu.vector_store %arg6[%swap3A_13, %swap3A_14], %dot_general3A_12 {strides = array<i32>} : memref<640x8xf32, #tpu.memory_space<vmem>>, vector<640x8xf32>,
    %get3A_16 = arith.constant 0 : index
    %get3A_17 = arith.constant 0 : index
    %get3A_18 = vector.load %arg4[%get3A_16, %get3A_17] : memref<128x8xf32, #tpu.memory_space<vmem>>, vector<128x8xf32>
    %dot_general3A_19 = arith.constant dense<0.000000e+00> : vector<640x8xf32>
    %dot_general3A_20 = tpu.matmul %dot_general3A_5, %get3A_18, %dot_general3A_19 {dimension_numbers = #tpu.dot_dimension_numbers<[1], [0], [0], [1], [0, 0, 1, 1], [], []>, transpose_lhs_hint = false} : vector<640x128xf32>, vector<128x8xf32>, vector<640x8xf32> -> vector<640x8xf32>
    %swap3A_21 = arith.constant 0 : index
    %swap3A_22 = arith.constant 0 : index
    %swap3A_23 = vector.load %arg7[%swap3A_21, %swap3A_22] : memref<640x8xf32, #tpu.memory_space<vmem>>, vector<640x8xf32>
    tpu.vector_store %arg7[%swap3A_21, %swap3A_22], %dot_general3A_20 {strides = array<i32>} : memref<640x8xf32, #tpu.memory_space<vmem>>, vector<640x8xf32>,
    return
  }
  func.func @transform_0(%arg0: i32) -> (i32, i32) {
    %c0_i32 = arith.constant 0 : i32
    %c0_i32_0 = arith.constant 0 : i32
    return %arg0, %c0_i32 : i32, i32
  }
  func.func @transform_1(%arg0: i32) -> (i32, i32) {
    %c0_i32 = arith.constant 0 : i32
    %c0_i32_0 = arith.constant 0 : i32
    %c0_i32_1 = arith.constant 0 : i32
    return %c0_i32, %c0_i32_0 : i32, i32
  }
  func.func @transform_2(%arg0: i32) -> (i32, i32) {
    %c0_i32 = arith.constant 0 : i32
    %c0_i32_0 = arith.constant 0 : i32
    %c0_i32_1 = arith.constant 0 : i32
    return %c0_i32, %c0_i32_0 : i32, i32
  }
  func.func @transform_3(%arg0: i32) -> (i32, i32) {
    %c0_i32 = arith.constant 0 : i32
    %c0_i32_0 = arith.constant 0 : i32
    %c0_i32_1 = arith.constant 0 : i32
    return %c0_i32, %c0_i32_0 : i32, i32
  }
  func.func @transform_4(%arg0: i32) -> (i32, i32) {
    %c0_i32 = arith.constant 0 : i32
    %c0_i32_0 = arith.constant 0 : i32
    return %arg0, %c0_i32 : i32, i32
  }
  func.func @transform_5(%arg0: i32) -> (i32, i32) {
    %c0_i32 = arith.constant 0 : i32
    %c0_i32_0 = arith.constant 0 : i32
    return %arg0, %c0_i32 : i32, i32
  }
  func.func @transform_6(%arg0: i32) -> (i32, i32) {
    %c0_i32 = arith.constant 0 : i32
    %c0_i32_0 = arith.constant 0 : i32
    return %arg0, %c0_i32 : i32, i32
  }
}

</mosaic_0001>

<sc_bundles>
// kernel: kernel.5.cloned.1.call-start
scs
__scs_entry_jumppad:
0x0: {  	(pc) =	sbr.rel $0x88, $3  }
0x1: {  	(tag) =	ssettag $0x0;
	lr =	simm.s32 $0x1  }
0x2: {  	[smem:$0x3F9D] =	sst lr;
	_ =	strace $0xD0000000  }
0x3: {  	_ = 	snop  }
0x4: {  	_ = 	snop  }
0x5: {  	_ = 	snop  }
0x6: {  	_ = 	snop  }
0x7: {  	_ = 	snop  }
__scs_overlays_trampoline_lowered:
0x8: {  	[smem:$0x3FAC] =	sst s0  }
0x9: {  	[smem:$0x3FAD] =	sst s1  }
0xa: {  	[smem:$0x3FAE] =	sst s2  }
0xb: {  	[smem:$0x3FAF] =	sst s3  }
0xc: {  	[smem:$0x3FB0] =	sst s4  }
0xd: {  	[smem:$0x3FB1] =	sst s5  }
0xe: {  	[smem:$0x3FB2] =	sst s6  }
0xf: {  	[smem:$0x3FB3] =	sst s7  }
0x10: {  	[smem:$0x3FB4] =	sst s8  }
0x11: {  	[smem:$0x3FB5] =	sst s9;
	s0 =	simm.s32 @!p0 $0x0  }
0x12: {  	s1 =	sld [smem:$0x3F9B];
	s0 =	simm.s32 @p0 $0x1  }
0x13: {  	[smem:$0x3FB6] =	sst s0;
	s0 =	simm.s32 @!p1 $0x0  }
0x14: {  	s2 =	sld [smem:$0x3F9A];
	s0 =	simm.s32 @p1 $0x1  }
0x15: {  	[smem:$0x3FB7] =	sst s0;
	s0 =	simm.s32 @!p2 $0x0  }
0x16: {  	s3 =	sld [smem:$0x3FDB];
	s0 =	simm.s32 @p2 $0x1  }
0x17: {  	s4 =	simm.s32 $0x1BF5;
	[smem:$0x3FB9] =	sst s0  }
0x18: {  	s0 =	sld [smem:$0x3F9C];
	_ =	swait.ge [sflag:s4], $0x0  }
0x19: {  	s7 =	sld [smem:$0x3F9D]  }
0x1a: {  	s8 =	sadd.s32 $0xFFFFE003, lr  }
0x1b: {  	s9 =	sadd.s32 $0xFFFFFEF7, lr;
	s5 =	simm.s32 $0xFFFFFFFF;
	p2 =	slt.u32 s8, $0xFFFFF086  }
0x1c: {  	p1 =	slt.u32 s9, $0xF7A;
	s5 =	simm.s32 @!p2 $0x0  }
0x1d: {  	s5 =	simm.s32 @p1 $0x1;
	p0 =	seq.s32 s7, s2  }
0x1e: {  	s7 =	smul.u32 @!p0 $0xF7A, s2;
	p2 =	seq.s32 @!p0 s5, $0x0  }
0x1f: {  	s9 =	smul.u32 $0xF7A, s1;
	s8 =	simm.s32 @!p0 $0x1BF5;
	p2 =	por !p2, p0  }
0x20: {  	[sflag:s8] =	ssyncset.s32 @!p0 $0xFFFFF086;
	s6 =	sadd.s32 @!p0 s3, s7;
	s7 =	simm.s32 @!p0 $0x108  }
0x21: {  	s3 =	sadd.s32 s3, s9;
	s6 =	sadd.s32 @!p0 $0x88, s6;
	s7 =	simm.s32 @p2 $0x1082  }
0x22: {  	[simem:s7], [sflag:s8] =	dma.local @!p0 [hbm:s6], $0xF7A  }
0x23: {  	s9 =	sor.u32 $0xD0000000, s2;
	s6 =	simm.s32 $0x108;
	_ =	swait.ge @!p0 [sflag:s8], $0x0  }
0x24: {  	s3 =	sadd.s32 $0x88, s3;
	s6 =	simm.s32 @!p1 $0x1082;
	[sflag:s4] =	ssyncset.s32 $0xFFFFF086  }
0x25: {  	[simem:s6], [sflag:s4] =	dma.local [hbm:s3], $0xF7A  }
0x26: {  	[smem:$0x3F9D] =	sst s1;
	(tag) =	ssettag s2;
	_ =	strace s9  }
0x27: {  	s1 =	sld [smem:$0x3FAD]  }
0x28: {  	s2 =	sld [smem:$0x3FAE]  }
0x29: {  	s4 =	sld [smem:$0x3FB0]  }
0x2a: {  	p0 =	seq.s32 s5, $0x0;
	s5 =	sld [smem:$0x3FB1]  }
0x2b: {  	s6 =	sld [smem:$0x3FB2]  }
0x2c: {  	s7 =	sld [smem:$0x3FB3]  }
0x2d: {  	s3 =	simm.s32 $0x108;
	s8 =	sld [smem:$0x3FB4]  }
0x2e: {  	s3 =	simm.s32 @!p0 $0x1082;
	s9 =	sld [smem:$0x3FB5]  }
0x2f: {  	lr =	sadd.s32 s0, s3;
	s0 =	sld [smem:$0x3FAC]  }
0x30: {  	s3 =	sld [smem:$0x3FAF]  }
0x31: {  	[smem:$0x3FB8] =	sst s10  }
0x32: {  	s10 =	sld [smem:$0x3FB6];
	_ =	sdelay $0x3  }
0x33: {  	p0 =	seq.s32 s10, $0x1;
	s10 =	sld [smem:$0x3FB8];
	_ =	sdelay $0x3  }
0x34: {  	[smem:$0x3FB8] =	sst s10  }
0x35: {  	s10 =	sld [smem:$0x3FB7];
	_ =	sdelay $0x3  }
0x36: {  	p1 =	seq.s32 s10, $0x1;
	s10 =	sld [smem:$0x3FB8];
	_ =	sdelay $0x3  }
0x37: {  	[smem:$0x3FB8] =	sst s10  }
0x38: {  	s10 =	sld [smem:$0x3FB9]  }
0x39: {  	_ = 	snop;
	(pc) =	sbr.ind lr, $3  }
0x3a: {  	_ = 	snop  }
0x3b: {  	_ = 	snop  }
0x3c: {  	p2 =	seq.s32 s10, $0x1;
	s10 =	sld [smem:$0x3FB8]  }
0x3d: {  	_ =	shalt  }
0x3e: {  	_ =	shalt  }
0x3f: {  	_ =	shalt  }
0x40: {  	_ =	shalt  }
0x41: {  	_ =	shalt  }
0x42: {  	_ =	shalt  }
0x43: {  	_ =	shalt  }
0x44: {  	_ =	shalt  }
0x45: {  	_ =	shalt  }
0x46: {  	_ =	shalt  }
0x47: {  	_ =	shalt  }
0x48: {  	_ =	shalt  }
0x49: {  	_ =	shalt  }
0x4a: {  	_ =	shalt  }
0x4b: {  	_ =	shalt  }
0x4c: {  	_ =	shalt  }
0x4d: {  	_ =	shalt  }
0x4e: {  	_ =	shalt  }
0x4f: {  	_ =	shalt  }
0x50: {  	_ =	shalt  }
0x51: {  	_ =	shalt  }
0x52: {  	_ =	shalt  }
0x53: {  	_ =	shalt  }
0x54: {  	_ =	shalt  }
0x55: {  	_ =	shalt  }
0x56: {  	_ =	shalt  }
0x57: {  	_ =	shalt  }
0x58: {  	_ =	shalt  }
0x59: {  	_ =	shalt  }
0x5a: {  	_ =	shalt  }
0x5b: {  	_ =	shalt  }
0x5c: {  	_ =	shalt  }
0x5d: {  	_ =	shalt  }
0x5e: {  	_ =	shalt  }
0x5f: {  	_ =	shalt  }
0x60: {  	_ =	shalt  }
0x61: {  	_ =	shalt  }
0x62: {  	_ =	shalt  }
0x63: {  	_ =	shalt  }
0x64: {  	_ =	shalt  }
0x65: {  	_ =	shalt  }
0x66: {  	_ =	shalt  }
0x67: {  	_ =	shalt  }
0x68: {  	_ =	shalt  }
0x69: {  	_ =	shalt  }
0x6a: {  	_ =	shalt  }
0x6b: {  	_ =	shalt  }
0x6c: {  	_ =	shalt  }
0x6d: {  	_ =	shalt  }
0x6e: {  	_ =	shalt  }
0x6f: {  	_ =	shalt  }
0x70: {  	_ =	shalt  }
0x71: {  	_ =	shalt  }
0x72: {  	_ =	shalt  }
0x73: {  	_ =	shalt  }
0x74: {  	_ =	shalt  }
0x75: {  	_ =	shalt  }
0x76: {  	_ =	shalt  }
0x77: {  	_ =	shalt  }
0x78: {  	_ =	shalt  }
0x79: {  	_ =	shalt  }
0x7a: {  	_ =	shalt  }
0x7b: {  	_ =	shalt  }
0x7c: {  	_ =	shalt  }
0x7d: {  	_ =	shalt  }
0x7e: {  	_ =	shalt  }
0x7f: {  	_ =	shalt  }
0x80: {  	_ =	shalt  }
0x81: {  	_ =	shalt  }
0x82: {  	_ =	shalt  }
0x83: {  	_ =	shalt  }
0x84: {  	_ =	shalt  }
0x85: {  	_ =	shalt  }
0x86: {  	_ =	shalt  }
0x87: {  	_ =	shalt  }
.Lfunc_end0:
.L_simem_size_0:
called_computation_lowered:
.L_overlay_start_0:
0x88: {  	s0 =	sld [smem:$0x3FD9]  }
0x89: {  	s1 =	sld [smem:$0x3FFE];
	_ =	sdelay $0x3  }
0x8a: {  	s0 =	sadd.s32 s1, s0  }
0x8b: {  	[smem:$0x3FC4] =	sst s0  }
0x8c: {  	_ = 	snop  }
0x8d: {  	(tm) =	ssettm $0x1  }
0x8e: {  	s15 =	sld [smem:$0x3FFB];
	_ =	sdelay $0x3  }
0x8f: {  	_ =	strace s15  }
0x90: {  	s0 =	sld [smem:$0x3FFC];
	_ =	sdelay $0x3  }
0x91: {  	_ =	strace s0  }
0x92: {  	s0 =	sld [smem:$0x3FFD];
	_ =	sdelay $0x3  }
0x93: {  	_ =	strace s0  }
0x94: {  	_ =	strace $0x8FFFFFFF  }
0x95: {  	s16 =	sld [smem:$0x3FDB];
	_ =	sdelay $0x1  }
0x96: {  	s17 =	simm.s32 $_scs_section_size  }
0x97: {  	s2 =	simm.s32 $_size__tile_overlayer_lowered;
	s3 =	simm.s32 $_tile_overlayer_lowered  }
0x98: {  	s20 =	simm.s32 $0x1BFF;
	s19 =	sshll.u32 s3, $0x1;
	s0 =	sadd.s32 s17, s16  }
0x99: {  	s4 =	simm.s32 $0x0;
	s18 =	sshll.u32 s2, $0x1;
	s2 =	sadd.s32 s19, s0  }
0x9a: {  	[timem:s4], [sflag:s20] =	dma.local [hbm:s2], s18  }
0x9b: {  	_ =	swait.ge [sflag:s20], s18  }
0x9c: {  	s1 =	ssub.s32 $0x0, s18;
	[sflag:s20] =	ssyncset.done $0x0  }
0x9d: {  	[sflag:s20] =	ssyncadd.s32 s1;
	_ =	sdelay $0x1  }
0x9e: {  	s21 =	simm.s32 $0x1B8B  }
0x9f: {  	_ =	swait.ge [sflag:s21], $0x1  }
0xa0: {  	[sflag:s21] =	ssyncset.done $0x0  }
0xa1: {  	s23 =	simm.s32 $0x1B8E;
	s22 =	sld [smem:$0x3FFE];
	[sflag:s21] =	ssyncadd.s32 $0xFFFFFFFF  }
0xa2: {  	s24 =	simm.s32 $execute0_lowered;
	[smem:$0x3FD2] =	sst s23  }
0xa3: {  	s2 =	sshll.u32 s24, $0x1;
	_ =	strace $0x80000046;
	[dreg:$0x1] =	wrdreg $0xFFFFFFFF  }
0xa4: {  	s25 =	simm.s32 $_size_execute0_lowered;
	s0 =	sadd.s32 s0, s2;
	[dreg:$0x0] =	wrdreg $0x0  }
0xa5: {  	s2 =	sshll.u32 s25, $0x1;
	[dreg:$0x2] =	wrdreg s0  }
0xa6: {  	[dreg:$0x3] =	wrdreg s2  }
0xa7: {  	[dreg:$0x4] =	wrdreg $0xC0  }
0xa8: {  	_ =	task [dreg:s4], $0x5FFFF  }
0xa9: {  	[dreg:$0x1] =	wrdreg $0xFFFFFFFF  }
0xaa: {  	[dreg:$0x0] =	wrdreg $0x60  }
0xab: {  	[dreg:$0x2] =	wrdreg s22  }
0xac: {  	[dreg:$0x3] =	wrdreg $0x1E1E00  }
0xad: {  	[dreg:$0x4] =	wrdreg $0x1B9E00  }
0xae: {  	[dreg:$0x5] =	wrdreg $0x1CDE00  }
0xaf: {  	[dreg:$0x6] =	wrdreg $0x9  }
0xb0: {  	_ =	task.clear_ibuf [dreg:s4], $0x7FFFF;
	_ =	strace $0x90000046  }
0xb1: {  	s26 =	simm.s32 $0x9;
	_ =	strace $0x80000048  }
0xb2: {  	_ =	swait.ge [sflag:s26], $0x1  }
0xb3: {  	[sflag:s26] =	ssyncadd.s32 $0xFFFFFFFF  }
0xb4: {  	_ =	strace $0x90000048  }
0xb5: {  	_ =	sfence  }
0xb6: {  	s28 =	sld [smem:$0x0];
	_ =	sdelay $0x1  }
0xb7: {  	s29 =	srdreg.scid  }
0xb8: {  	s30 =	sshll.u32 s29, $0xD;
	s31 =	sshrl.u32 s29, $0x2  }
0xb9: {  	s1 =	sand.u32 $0x1, s29;
	s2 =	sand.u32 $0x4000, s30;
	s0 =	sadd.s32 s31, s28  }
0xba: {  	s1 =	sor.u32 s2, s1;
	s0 =	sshll.u32 s0, $0x11  }
0xbb: {  	s0 =	sor.u32 s0, s1  }
0xbc: {  	s0 =	sadd.s32 $0x8F2B, s0  }
0xbd: {  	[sflag:s0] =	ssyncadd.remote.s32 $0x1  }
0xbe: {  	_ =	sfence.sel $0xFFFF  }
0xbf: {  	[dreg:$0x0] =	wrdreg $0xFFFFFFFF;
	(pc) =	sbr.abs _section_cstart, $3  }
0xc0: {  	[dreg:$0x1] =	wrdreg $0xFFFFFFFF  }
0xc1: {  	_ =	task.clear_ibuf [dreg:s4], $0x2FFFF;
	_ =	strace $0x9FFFFFFF  }
0xc2: {  	(tm) =	ssettm $0x7FFFFFFF  }
0xc3: {  	_ =	shalt  }
tec
execute0_lowered:
.L_overlay_start_1:
0x0: {  	(tag) =	ssettag $0x1  }
0x1: {  	s4 =	rddreg [dreg:$0x0]  }
0x2: {  	s1 =	rddreg [dreg:$0x1]  }
0x3: {  	s2 =	rddreg [dreg:$0x2]  }
0x4: {  	s3 =	rddreg [dreg:$0x3]  }
0x5: {  	s0 =	rddreg [dreg:$0x4];
	s11 =	simm.s32 $0x0  }
0x6: {  	s6 =	simm.s32 $0x1A5E0;
	s8 =	simm.s32 $0x10;
	[smem:$0x7FF] =	sst s11  }
0x7: {  	v1 =	vlaneseq.u32;
	s9 =	sadd.s32 $0x14E00, s4;
	s7 =	sadd.s32 $0x17600, s4;
	s10 =	sadd.s32 $0x1400, s4  }
0x8: {  	v0 =	vimm.f32 $0.0e+00;
	s5 =	sadd.s32 $0x19E00, s4;
	s4 =	stileid.u32;
	v2 =	vor.u32 s11, v1;
	_ =	strace $0x80000047  }
.LBB2_1:
0x9: {  	p0 =	sne.s32 s8, $0x13F0  }
.Ltmp0:
0xa: {  	_ = 	snop;
	(pc) =	sbr.rel @p0 .LBB2_1-.Ltmp0, $3  }
0xb: {  	_ =	sdelay $0x1  }
0xc: {  	[tilespmem:v2+s6+$0x0] =	vst.idx.msk $0xffff, v0;
	s11 =	smov.u32 s8;
	s8 =	sadd.s32 $0x10, s8  }
0xd: {  	v2 =	vor.u32 s11, v1  }
0xe: {  	_ =	sdelay $0x1  }
0xf: {  	s11 =	smul.u32 $0x1400, s4;
	_ =	sdelay $0x1  }
0x10: {  	[tilespmem:v2+s6+$0x0] =	vst.idx.msk $0xffff, v0;
	s12 =	simm.s32 $0x1A5E0;
	s8 =	simm.s32 $0x1;
	s6 =	sadd.s32 s11, s1  }
0x11: {  	[spmem:s6] =	stream.linear.scatter [tilespmem:s12], [sflag:$0x1], $0x1400, $0x38;
	[tilespmem:$0x1F5E0] =	vst v63  }
0x12: {  	_ =	swait.ge [sflag:s8], $0x1400  }
0x13: {  	s13 =	sshrl.u32 s11, $0x3;
	[sflag:s8] =	ssyncset.done $0x0  }
0x14: {  	s14 =	sadd.s32 s9, s13;
	s9 =	simm.s32 $0x0;
	[sflag:s8] =	ssyncadd.s32 $0xFFFFEC00  }
0x15: {  	[tilespmem:s12], [sflag:$0x1] =	stream.linear.gather [hbm4b:s14+s9], $0x1400, $0x38;
	[tilespmem:$0x1F5E0] =	vst v63  }
0x16: {  	_ =	swait.ge [sflag:s8], $0x1400  }
0x17: {  	[sflag:s8] =	ssyncset.done $0x0  }
0x18: {  	s30 =	sadd.s32 s11, s2;
	[sflag:s8] =	ssyncadd.s32 $0xFFFFEC00  }
0x19: {  	[spmem:s30] =	stream.linear.scatter [tilespmem:s12], [sflag:$0x1], $0x1400, $0x38;
	[tilespmem:$0x1F5E0] =	vst v63  }
0x1a: {  	_ =	swait.ge [sflag:s8], $0x1400  }
0x1b: {  	[sflag:s8] =	ssyncset.done $0x0  }
0x1c: {  	s7 =	sadd.s32 s7, s13;
	[sflag:s8] =	ssyncadd.s32 $0xFFFFEC00  }
0x1d: {  	[tilespmem:s12], [sflag:$0x1] =	stream.linear.gather [hbm4b:s7+s9], $0x1400, $0x38;
	[tilespmem:$0x1F5E0] =	vst v63  }
0x1e: {  	_ =	swait.ge [sflag:s8], $0x1400  }
0x1f: {  	[sflag:s8] =	ssyncset.done $0x0  }
0x20: {  	s11 =	sadd.s32 s11, s3;
	s7 =	smul.u32 $0x4E20, s4;
	[sflag:s8] =	ssyncadd.s32 $0xFFFFEC00  }
0x21: {  	[spmem:s11] =	stream.linear.scatter [tilespmem:s12], [sflag:$0x1], $0x1400, $0x38;
	[tilespmem:$0x1F5E0] =	vst v63  }
0x22: {  	_ =	swait.ge [sflag:s8], $0x1400  }
0x23: {  	s31 =	sshrl.u32 s7, $0x3;
	[sflag:s8] =	ssyncset.done $0x0  }
0x24: {  	s10 =	sadd.s32 s10, s31;
	[sflag:s8] =	ssyncadd.s32 $0xFFFFEC00  }
0x25: {  	[tilespmem:s9], [sflag:$0x1] =	stream.linear.gather [hbm4b:s10+s9], $0x4E20, $0x38;
	[tilespmem:$0x1F5E0] =	vst v63  }
0x26: {  	_ =	swait.ge [sflag:s8], $0x4E20  }
0x27: {  	[sflag:s8] =	ssyncset.done $0x0  }
0x28: {  	s11 =	sadd.s32 $0x9C40, s10;
	s10 =	simm.s32 $0x4E20;
	[sflag:s8] =	ssyncadd.s32 $0xFFFFB1E0  }
0x29: {  	[tilespmem:s10], [sflag:$0x1] =	stream.linear.gather [hbm4b:s11+s9], $0x4E20, $0x38;
	[tilespmem:$0x1F5E0] =	vst v63  }
0x2a: {  	s15 =	simm.s32 $0xEA60;
	s16 =	simm.s32 $0x128E0;
	_ =	swait.ge [sflag:s8], $0x4E20  }
0x2b: {  	s17 =	simm.s32 $0x0;
	s18 =	simm.s32 $0x0;
	[sflag:s8] =	ssyncset.done $0x0  }
0x2c: {  	s13 =	simm.s32 $0x7D0;
	s14 =	simm.s32 $0xABE0;
	[sflag:s8] =	ssyncadd.s32 $0xFFFFB1E0  }
0x2d: {  	v0 =	vlaneseq.u32;
	s12 =	simm.s32 $0xA410;
	s11 =	simm.s32 $0x9C40;
	[bflag:$0x0] =	sbarrier.arrive $0xFFFF  }
.LBB2_3:
0x2e: {  	s19 =	sshll.u32 s17, $0x4  }
0x2f: {  	v2 =	vor.u32 s19, v0;
	_ =	sdelay $0x4  }
0x30: {  	v1 =	vor.u32 s9, v0;
	v3 =	vld.idx.msk [tilespmem:v2+s9+$0x0], $0xffff;
	_ =	sdelay $0x4  }
0x31: {  	s20 =	sadd.s32 $0x1, s17;
	[tilespmem:v1+s11+$0x0] =	vst.idx.msk $0xffff, v3  }
0x32: {  	s21 =	simm.s32 $0x20;
	s19 =	simm.s32 $0x10;
	s22 =	sshll.u32 s20, $0x4;
	v2 =	vld.idx.msk [tilespmem:v2+s10+$0x0], $0xffff  }
.LBB2_4:
0x33: {  	p0 =	sne.s32 s21, $0x7C0;
	v3 =	vor.u32 s22, v0;
	_ =	sdelay $0x3  }
0x34: {  	[tilespmem:v1+s12+$0x0] =	vst.idx.msk $0xffff, v2  }
0x35: {  	v2 =	vld.idx.msk [tilespmem:v3+s9+$0x0], $0xffff  }
0x36: {  	v1 =	vor.u32 s19, v0;
	s19 =	smov.u32 s21;
	_ =	sdelay $0x2  }
.Ltmp1:
0x37: {  	(pc) =	sbr.rel @p0 .LBB2_4-.Ltmp1, $4  }
0x38: {  	_ = 	snop  }
0x39: {  	[tilespmem:v1+s11+$0x0] =	vst.idx.msk $0xffff, v2  }
0x3a: {  	s20 =	sadd.s32 $0x1, s20;
	v2 =	vld.idx.msk [tilespmem:v3+s10+$0x0], $0xffff  }
0x3b: {  	s22 =	sshll.u32 s20, $0x4;
	s21 =	sadd.s32 $0x10, s21  }
0x3c: {  	v3 =	vor.u32 s22, v0;
	_ =	sdelay $0x3  }
0x3d: {  	[tilespmem:v1+s12+$0x0] =	vst.idx.msk $0xffff, v2  }
0x3e: {  	v2 =	vor.u32 s19, v0;
	v1 =	vld.idx.msk [tilespmem:v3+s9+$0x0], $0xffff;
	_ =	sdelay $0x4  }
0x3f: {  	[tilespmem:v2+s11+$0x0] =	vst.idx.msk $0xffff, v1  }
0x40: {  	v1 =	vld.idx.msk [tilespmem:v3+s10+$0x0], $0xffff;
	_ =	sdelay $0x4  }
0x41: {  	[tilespmem:v2+s12+$0x0] =	vst.idx.msk $0xffff, v1  }
0x42: {  	[tilespmem:s14], [sflag:$0x1] =	stream.indirect.gather [spmem:s2], $0x8, s11, s13, $0xb8;
	[tilespmem:$0x1F5E0] =	vst v63  }
0x43: {  	_ =	swait.ge [sflag:s8], $0x3E80  }
0x44: {  	s30 =	simm.s32 $0x0;
	[sflag:s8] =	ssyncset.done $0x0  }
0x45: {  	v1 =	vor.u32 s30, v0;
	[sflag:s8] =	ssyncadd.s32 $0xFFFFC180  }
0x46: {  	[tilespmem:s15], [sflag:$0x1] =	stream.indirect.gather [spmem:s3], $0x8, s12, s13, $0xb8;
	[tilespmem:$0x1F5E0] =	vst v63  }
0x47: {  	_ =	swait.ge [sflag:s8], $0x3E80  }
0x48: {  	[sflag:s8] =	ssyncset.done $0x0  }
0x49: {  	[sflag:s8] =	ssyncadd.s32 $0xFFFFC180  }
0x4a: {  	v2 =	vld.idx.msk [tilespmem:v1+s15+$0x0], $0xffff  }
0x4b: {  	v3 =	vld.idx.msk [tilespmem:v1+s14+$0x0], $0xffff;
	_ =	sdelay $0x4  }
0x4c: {  	v2 =	vadd.f32 v2, v3;
	_ =	sdelay $0x1  }
0x4d: {  	v3 =	vmul.f32 $2.000000030e-01, v2  }
0x4e: {  	vm0 =	vlt.f32 v2, $0.0e+00  }
0x4f: {  	v2 =	vsel vm0, v3, v2  }
0x50: {  	v2 =	vmul.f32 $1.442695020e+00, v2;
	_ =	sdelay $0x1  }
0x51: {  	(erf) = vpow2.f32 v2;
	_ =	sdelay $0x5  }
0x52: {  	s31 =	simm.s32 $0x10  }
0x53: {  	s19 =	simm.s32 $0x20;
	v2 =	vor.u32 s31, v0  }
.LBB2_6:
0x54: {  	p0 =	sne.s32 s19, $0x3E70  }
0x55: {  	v3 =	vpop (erf)  }
0x56: {  	[tilespmem:v1+s16+$0x0] =	vst.idx.msk $0xffff, v3;
	v1 =	vmov v2  }
0x57: {  	v3 =	vld.idx.msk [tilespmem:v2+s15+$0x0], $0xffff  }
0x58: {  	v2 =	vld.idx.msk [tilespmem:v2+s14+$0x0], $0xffff;
	_ =	sdelay $0x5  }
0x59: {  	v2 =	vadd.f32 v3, v2;
	_ =	sdelay $0x1  }
0x5a: {  	v3 =	vmul.f32 $2.000000030e-01, v2  }
0x5b: {  	vm0 =	vlt.f32 v2, $0.0e+00  }
0x5c: {  	v2 =	vsel vm0, v3, v2  }
0x5d: {  	v2 =	vmul.f32 $1.442695020e+00, v2;
	_ =	sdelay $0x1  }
0x5e: {  	(erf) = vpow2.f32 v2;
	_ =	sdelay $0x2  }
.Ltmp2:
0x5f: {  	(pc) =	sbr.rel @p0 .LBB2_6-.Ltmp2, $3  }
0x60: {  	_ =	sdelay $0x1  }
0x61: {  	v2 =	vor.u32 s19, v0  }
0x62: {  	s19 =	sadd.s32 $0x10, s19  }
0x63: {  	_ =	sdelay $0x2  }
0x64: {  	v3 =	vpop (erf)  }
0x65: {  	[tilespmem:v1+s16+$0x0] =	vst.idx.msk $0xffff, v3  }
0x66: {  	v1 =	vld.idx.msk [tilespmem:v2+s15+$0x0], $0xffff  }
0x67: {  	v3 =	vld.idx.msk [tilespmem:v2+s14+$0x0], $0xffff;
	_ =	sdelay $0x4  }
0x68: {  	v1 =	vadd.f32 v1, v3;
	_ =	sdelay $0x1  }
0x69: {  	v3 =	vmul.f32 $2.000000030e-01, v1  }
0x6a: {  	vm0 =	vlt.f32 v1, $0.0e+00  }
0x6b: {  	v1 =	vsel vm0, v3, v1  }
0x6c: {  	v1 =	vmul.f32 $1.442695020e+00, v1;
	_ =	sdelay $0x1  }
0x6d: {  	(erf) = vpow2.f32 v1;
	_ =	sdelay $0x7  }
0x6e: {  	s18 =	sadd.s32 $0x1, s18  }
0x6f: {  	p0 =	sne.s32 s18, $0xA;
	v1 =	vpop (erf)  }
.Ltmp3:
0x70: {  	[tilespmem:v2+s16+$0x0] =	vst.idx.msk $0xffff, v1;
	(pc) =	sbr.rel @p0 .LBB2_3-.Ltmp3, $4  }
0x71: {  	[spmem:s1] =	stream.indirect.scatter.add.f32 [tilespmem:s16], [sflag:$0x1], $0x8, s12, s13, $0xb8;
	[tilespmem:$0x1F5E0] =	vst v63  }
0x72: {  	_ =	swait.ge [sflag:s8], $0x3E80  }
0x73: {  	[sflag:s8] =	ssyncset.done $0x0  }
0x74: {  	s17 =	sadd.s32 $0x7D, s17;
	[sflag:s8] =	ssyncadd.s32 $0xFFFFC180  }
0x75: {  	s9 =	simm.s32 $0x0;
	v0 =	vlaneseq.u32  }
0x76: {  	[bflag:$0x0] =	sbarrier.arrive $0xFFFF;
	s8 =	simm.s32 $0x1A5E0;
	s30 =	simm.s32 $0x1;
	v1 =	vor.u32 s9, v0  }
0x77: {  	[tilespmem:s8], [sflag:$0x1] =	stream.linear.gather [spmem:s6], $0x1400, $0x38;
	[tilespmem:$0x1F5E0] =	vst v63  }
0x78: {  	_ =	swait.ge [sflag:s30], $0x1400  }
0x79: {  	[sflag:s30] =	ssyncset.done $0x0  }
0x7a: {  	[sflag:s30] =	ssyncadd.s32 $0xFFFFEC00  }
0x7b: {  	v2 =	vld.idx.msk [tilespmem:v1+s8+$0x0], $0xffff;
	_ =	sdelay $0x4  }
0x7c: {  	v2 =	vadd.f32 $9.999999710e-10, v2;
	_ =	sdelay $0x1  }
0x7d: {  	(erf) = vrcp.f32 v2;
	_ =	sdelay $0x4  }
0x7e: {  	s31 =	simm.s32 $0x10  }
0x7f: {  	s9 =	simm.s32 $0x20;
	v2 =	vor.u32 s31, v0  }
.LBB2_9:
0x80: {  	p0 =	sne.s32 s9, $0x13F0;
	_ =	sdelay $0x1  }
0x81: {  	v3 =	vpop (erf)  }
0x82: {  	[tilespmem:v1+s8+$0x0] =	vst.idx.msk $0xffff, v3;
	v1 =	vmov v2  }
0x83: {  	v2 =	vld.idx.msk [tilespmem:v2+s8+$0x0], $0xffff;
	_ =	sdelay $0x5  }
0x84: {  	v2 =	vadd.f32 $9.999999710e-10, v2;
	_ =	sdelay $0x1  }
0x85: {  	(erf) = vrcp.f32 v2;
	_ =	sdelay $0x1  }
.Ltmp4:
0x86: {  	(pc) =	sbr.rel @p0 .LBB2_9-.Ltmp4, $2  }
0x87: {  	_ =	sdelay $0x2  }
0x88: {  	v2 =	vor.u32 s9, v0;
	s9 =	sadd.s32 $0x10, s9  }
0x89: {  	_ =	sdelay $0x2  }
0x8a: {  	v0 =	vpop (erf)  }
0x8b: {  	[tilespmem:v1+s8+$0x0] =	vst.idx.msk $0xffff, v0  }
0x8c: {  	v0 =	vld.idx.msk [tilespmem:v2+s8+$0x0], $0xffff;
	_ =	sdelay $0x4  }
0x8d: {  	v0 =	vadd.f32 $9.999999710e-10, v0;
	_ =	sdelay $0x1  }
0x8e: {  	(erf) = vrcp.f32 v0;
	_ =	sdelay $0x8  }
0x8f: {  	v0 =	vpop (erf)  }
0x90: {  	s31 =	simm.s32 $0x1A5E0;
	s5 =	sadd.s32 s5, s7;
	s7 =	simm.s32 $0x0;
	[tilespmem:v2+s8+$0x0] =	vst.idx.msk $0xffff, v0  }
0x91: {  	[spmem:s6] =	stream.linear.scatter [tilespmem:s31], [sflag:$0x1], $0x1400, $0x38;
	[tilespmem:$0x1F5E0] =	vst v63  }
0x92: {  	s9 =	simm.s32 $0x4E20;
	s10 =	simm.s32 $0xA410;
	s6 =	simm.s32 $0x1  }
0x93: {  	s11 =	simm.s32 $0x7D0;
	s12 =	simm.s32 $0xABE0;
	_ =	swait.ge [sflag:s6], $0x1400  }
0x94: {  	s13 =	simm.s32 $0xEA60;
	s14 =	simm.s32 $0x128E0;
	v0 =	vlaneseq.u32;
	[sflag:s6] =	ssyncset.done $0x0  }
0x95: {  	s15 =	simm.s32 $0x16760;
	s16 =	simm.s32 $0x0;
	v1 =	vand.u32 $0x7, v0;
	v3 =	vshrl.u32 v0, $0x3;
	[sflag:s6] =	ssyncadd.s32 $0xFFFFEC00  }
0x96: {  	s17 =	simm.s32 $0x0;
	s8 =	simm.s32 $0x9C40;
	v2 =	vor.u32 $0xFFFFFFF8, v1;
	v3 =	vmul.u32 $0x8, v3;
	[bflag:$0x0] =	sbarrier.arrive $0xFFFF  }
.LBB2_11:
0x97: {  	s18 =	sshll.u32 s16, $0x4  }
0x98: {  	v5 =	vor.u32 s18, v0;
	_ =	sdelay $0x4  }
0x99: {  	v4 =	vor.u32 s7, v0;
	v6 =	vld.idx.msk [tilespmem:v5+s7+$0x0], $0xffff;
	_ =	sdelay $0x4  }
0x9a: {  	s19 =	sadd.s32 $0x1, s16;
	[tilespmem:v4+s8+$0x0] =	vst.idx.msk $0xffff, v6  }
0x9b: {  	s20 =	simm.s32 $0x20;
	s18 =	simm.s32 $0x10;
	s21 =	sshll.u32 s19, $0x4;
	v5 =	vld.idx.msk [tilespmem:v5+s9+$0x0], $0xffff  }
.LBB2_12:
0x9c: {  	p0 =	sne.s32 s20, $0x7C0;
	v6 =	vor.u32 s21, v0;
	_ =	sdelay $0x3  }
0x9d: {  	[tilespmem:v4+s10+$0x0] =	vst.idx.msk $0xffff, v5  }
0x9e: {  	v5 =	vld.idx.msk [tilespmem:v6+s7+$0x0], $0xffff  }
0x9f: {  	v4 =	vor.u32 s18, v0;
	s18 =	smov.u32 s20;
	_ =	sdelay $0x2  }
.Ltmp5:
0xa0: {  	(pc) =	sbr.rel @p0 .LBB2_12-.Ltmp5, $4  }
0xa1: {  	_ = 	snop  }
0xa2: {  	[tilespmem:v4+s8+$0x0] =	vst.idx.msk $0xffff, v5  }
0xa3: {  	s19 =	sadd.s32 $0x1, s19;
	v5 =	vld.idx.msk [tilespmem:v6+s9+$0x0], $0xffff  }
0xa4: {  	s21 =	sshll.u32 s19, $0x4;
	s20 =	sadd.s32 $0x10, s20  }
0xa5: {  	v6 =	vor.u32 s21, v0;
	_ =	sdelay $0x3  }
0xa6: {  	[tilespmem:v4+s10+$0x0] =	vst.idx.msk $0xffff, v5  }
0xa7: {  	v5 =	vor.u32 s18, v0;
	v4 =	vld.idx.msk [tilespmem:v6+s7+$0x0], $0xffff;
	_ =	sdelay $0x4  }
0xa8: {  	[tilespmem:v5+s8+$0x0] =	vst.idx.msk $0xffff, v4  }
0xa9: {  	v4 =	vld.idx.msk [tilespmem:v6+s9+$0x0], $0xffff;
	_ =	sdelay $0x4  }
0xaa: {  	[tilespmem:v5+s10+$0x0] =	vst.idx.msk $0xffff, v4  }
0xab: {  	[tilespmem:s12], [sflag:$0x1] =	stream.indirect.gather [spmem:s2], $0x8, s8, s11, $0xb8;
	[tilespmem:$0x1F5E0] =	vst v63  }
0xac: {  	_ =	swait.ge [sflag:s6], $0x3E80  }
0xad: {  	[sflag:s6] =	ssyncset.done $0x0  }
0xae: {  	[sflag:s6] =	ssyncadd.s32 $0xFFFFC180  }
0xaf: {  	[tilespmem:s13], [sflag:$0x1] =	stream.indirect.gather [spmem:s3], $0x8, s10, s11, $0xb8;
	[tilespmem:$0x1F5E0] =	vst v63  }
0xb0: {  	s31 =	simm.s32 $0x0;
	_ =	swait.ge [sflag:s6], $0x3E80  }
0xb1: {  	v4 =	vor.u32 s31, v0;
	[sflag:s6] =	ssyncset.done $0x0  }
0xb2: {  	v4 =	vand.u32 v2, v4;
	[sflag:s6] =	ssyncadd.s32 $0xFFFFC180  }
0xb3: {  	[tilespmem:s14], [sflag:$0x1] =	stream.indirect.gather [spmem:s1], $0x8, s10, s11, $0xb8;
	[tilespmem:$0x1F5E0] =	vst v63  }
0xb4: {  	_ =	swait.ge [sflag:s6], $0x3E80  }
0xb5: {  	[sflag:s6] =	ssyncset.done $0x0  }
0xb6: {  	[sflag:s6] =	ssyncadd.s32 $0xFFFFC180  }
0xb7: {  	v5 =	vld.idx.msk [tilespmem:v4+s13+$0x0], $0xffff  }
0xb8: {  	v6 =	vld.idx.msk [tilespmem:v4+s12+$0x0], $0xffff;
	_ =	sdelay $0x4  }
0xb9: {  	v5 =	vadd.f32 v5, v6;
	_ =	sdelay $0x1  }
0xba: {  	v6 =	vmul.f32 $2.000000030e-01, v5  }
0xbb: {  	vm0 =	vlt.f32 v5, $0.0e+00  }
0xbc: {  	v5 =	vsel vm0, v6, v5  }
0xbd: {  	v5 =	vmul.f32 $1.442695020e+00, v5;
	_ =	sdelay $0x1  }
0xbe: {  	(erf) = vpow2.f32 v5;
	_ =	sdelay $0x3  }
0xbf: {  	v6 =	vmov s31  }
0xc0: {  	v6 =	vand.u32 $0x3FF8, v6;
	v5 =	vld.idx.msk [tilespmem:v4+s14+$0x0], $0xffff  }
0xc1: {  	s18 =	simm.s32 $0x10;
	v6 =	vor.u32 v3, v6  }
0xc2: {  	v7 =	vor.u32 s18, v0;
	v6 =	vor.u32 v1, v6  }
0xc3: {  	s19 =	simm.s32 $0x20;
	v4 =	vand.u32 v2, v7  }
.LBB2_14:
0xc4: {  	p0 =	sne.s32 s19, $0x3E70;
	v7 =	vpop (erf)  }
0xc5: {  	v5 =	vmul.f32 v7, v5;
	_ =	sdelay $0x1  }
0xc6: {  	[tilespmem:v6+s15+$0x0] =	vst.idx.msk $0xffff, v5  }
0xc7: {  	v5 =	vld.idx.msk [tilespmem:v4+s13+$0x0], $0xffff  }
0xc8: {  	v6 =	vld.idx.msk [tilespmem:v4+s12+$0x0], $0xffff;
	_ =	sdelay $0x5  }
0xc9: {  	v5 =	vadd.f32 v5, v6;
	_ =	sdelay $0x1  }
0xca: {  	v6 =	vmul.f32 $2.000000030e-01, v5  }
0xcb: {  	vm0 =	vlt.f32 v5, $0.0e+00  }
0xcc: {  	v5 =	vsel vm0, v6, v5  }
0xcd: {  	v5 =	vmul.f32 $1.442695020e+00, v5;
	_ =	sdelay $0x1  }
0xce: {  	(erf) = vpow2.f32 v5;
	_ =	sdelay $0x3  }
.Ltmp6:
0xcf: {  	v6 =	vmov s18;
	s18 =	smov.u32 s19;
	v5 =	vld.idx.msk [tilespmem:v4+s14+$0x0], $0xffff;
	(pc) =	sbr.rel @p0 .LBB2_14-.Ltmp6, $4  }
0xd0: {  	v4 =	vand.u32 $0x3FF8, v6  }
0xd1: {  	v4 =	vor.u32 v3, v4  }
0xd2: {  	v7 =	vor.u32 s19, v0;
	v6 =	vor.u32 v1, v4  }
0xd3: {  	s19 =	sadd.s32 $0x10, s19;
	v4 =	vand.u32 v2, v7  }
0xd4: {  	_ = 	snop  }
0xd5: {  	v7 =	vpop (erf)  }
0xd6: {  	v5 =	vmul.f32 v7, v5;
	_ =	sdelay $0x1  }
0xd7: {  	[tilespmem:v6+s15+$0x0] =	vst.idx.msk $0xffff, v5  }
0xd8: {  	v5 =	vld.idx.msk [tilespmem:v4+s13+$0x0], $0xffff  }
0xd9: {  	v6 =	vld.idx.msk [tilespmem:v4+s12+$0x0], $0xffff;
	_ =	sdelay $0x4  }
0xda: {  	v5 =	vadd.f32 v5, v6;
	_ =	sdelay $0x1  }
0xdb: {  	v6 =	vmul.f32 $2.000000030e-01, v5  }
0xdc: {  	vm0 =	vlt.f32 v5, $0.0e+00  }
0xdd: {  	v5 =	vsel vm0, v6, v5  }
0xde: {  	v5 =	vmul.f32 $1.442695020e+00, v5;
	_ =	sdelay $0x1  }
0xdf: {  	(erf) = vpow2.f32 v5;
	_ =	sdelay $0x3  }
0xe0: {  	v5 =	vmov s18  }
0xe1: {  	v4 =	vld.idx.msk [tilespmem:v4+s14+$0x0], $0xffff;
	v5 =	vand.u32 $0x3FF8, v5  }
0xe2: {  	v5 =	vor.u32 v3, v5  }
0xe3: {  	v5 =	vor.u32 v1, v5;
	_ =	sdelay $0x1  }
0xe4: {  	v63 =	vpop (erf)  }
0xe5: {  	s31 =	smul.u32 $0x7D0, s17;
	s17 =	sadd.s32 $0x1, s17;
	v4 =	vmul.f32 v63, v4  }
0xe6: {  	p0 =	sne.s32 s17, $0xA  }
.Ltmp7:
0xe7: {  	s18 =	sadd.s32 s31, s5;
	[tilespmem:v5+s15+$0x0] =	vst.idx.msk $0xffff, v4;
	(pc) =	sbr.rel @p0 .LBB2_11-.Ltmp7, $4  }
0xe8: {  	[hbm4b:s18+s7] =	stream.linear.scatter [tilespmem:s15], [sflag:$0x1], $0x3E80, $0x38;
	[tilespmem:$0x1F5E0] =	vst v63  }
0xe9: {  	_ =	swait.ge [sflag:s6], $0x3E80  }
0xea: {  	[sflag:s6] =	ssyncset.done $0x0  }
0xeb: {  	s16 =	sadd.s32 $0x7D, s16;
	[sflag:s6] =	ssyncadd.s32 $0xFFFFC180  }
0xec: {  	_ =	sfence.sel $0x180000  }
0xed: {  	[bflag:$0x0] =	sbarrier.arrive $0xFFFF  }
0xee: {  	p0 =	sne.s32 s4, $0x0;
	_ =	strace $0x90000047  }
0xef: {  	s0 =	sadd.s32 @!p0 $0x100000, s0;
	[bflag:$0x2] =	sbarrier.arrive $0xFFFF  }
0xf0: {  	[sflag:s0] =	ssyncadd.tile.s32 @!p0 $0x1;
	_ =	shalt  }
.Lfunc_end2:
_tile_overlayer_lowered:
.L_overlay_start_2:
0xf1: {  	(tag) =	ssettag $0x2  }
0xf2: {  	s0 =	rddreg [dreg:$0x0];
	s2 =	stileid.u32  }
0xf3: {  	s1 =	rddreg [dreg:$0x1];
	p0 =	sne.s32 s2, $0x0  }
0xf4: {  	s3 =	rddreg [dreg:$0x2];
	[bflag:$0x3] =	sbarrier.arrive $0xFFFF;
	s2 =	simm.s32 @!p0 $0x1C01  }
0xf5: {  	[timem:s3], [sflag:s2] =	dma.local @!p0 [hbm:s0], s1  }
0xf6: {  	s0 =	simm.s32 @!p0 $0x1  }
0xf7: {  	_ =	swait.ge @!p0 [sflag:s0], s1  }
0xf8: {  	s1 =	ssub.s32 @!p0 $0x0, s1;
	[sflag:s0] =	ssyncset.done @!p0 $0x0  }
0xf9: {  	[sflag:s0] =	ssyncadd.s32 @!p0 s1  }
0xfa: {  	[bflag:$0x3] =	sbarrier.arrive $0xFFFF  }
0xfb: {  	_ =	shalt  }

// kernel: kernel.8.cloned.1.call-start
scs
__scs_entry_jumppad:
0x0: {  	(pc) =	sbr.rel $0x88, $3  }
0x1: {  	(tag) =	ssettag $0x0;
	lr =	simm.s32 $0x1  }
0x2: {  	[smem:$0x3F9D] =	sst lr;
	_ =	strace $0xD0000000  }
0x3: {  	_ = 	snop  }
0x4: {  	_ = 	snop  }
0x5: {  	_ = 	snop  }
0x6: {  	_ = 	snop  }
0x7: {  	_ = 	snop  }
__scs_overlays_trampoline_lowered:
0x8: {  	[smem:$0x3FAC] =	sst s0  }
0x9: {  	[smem:$0x3FAD] =	sst s1  }
0xa: {  	[smem:$0x3FAE] =	sst s2  }
0xb: {  	[smem:$0x3FAF] =	sst s3  }
0xc: {  	[smem:$0x3FB0] =	sst s4  }
0xd: {  	[smem:$0x3FB1] =	sst s5  }
0xe: {  	[smem:$0x3FB2] =	sst s6  }
0xf: {  	[smem:$0x3FB3] =	sst s7  }
0x10: {  	[smem:$0x3FB4] =	sst s8  }
0x11: {  	[smem:$0x3FB5] =	sst s9;
	s0 =	simm.s32 @!p0 $0x0  }
0x12: {  	s1 =	sld [smem:$0x3F9B];
	s0 =	simm.s32 @p0 $0x1  }
0x13: {  	[smem:$0x3FB6] =	sst s0;
	s0 =	simm.s32 @!p1 $0x0  }
0x14: {  	s2 =	sld [smem:$0x3F9A];
	s0 =	simm.s32 @p1 $0x1  }
0x15: {  	[smem:$0x3FB7] =	sst s0;
	s0 =	simm.s32 @!p2 $0x0  }
0x16: {  	s3 =	sld [smem:$0x3FDB];
	s0 =	simm.s32 @p2 $0x1  }
0x17: {  	s4 =	simm.s32 $0x1BF5;
	[smem:$0x3FB9] =	sst s0  }
0x18: {  	s0 =	sld [smem:$0x3F9C];
	_ =	swait.ge [sflag:s4], $0x0  }
0x19: {  	s7 =	sld [smem:$0x3F9D]  }
0x1a: {  	s8 =	sadd.s32 $0xFFFFE003, lr  }
0x1b: {  	s9 =	sadd.s32 $0xFFFFFEF7, lr;
	s5 =	simm.s32 $0xFFFFFFFF;
	p2 =	slt.u32 s8, $0xFFFFF086  }
0x1c: {  	p1 =	slt.u32 s9, $0xF7A;
	s5 =	simm.s32 @!p2 $0x0  }
0x1d: {  	s5 =	simm.s32 @p1 $0x1;
	p0 =	seq.s32 s7, s2  }
0x1e: {  	s7 =	smul.u32 @!p0 $0xF7A, s2;
	p2 =	seq.s32 @!p0 s5, $0x0  }
0x1f: {  	s9 =	smul.u32 $0xF7A, s1;
	s8 =	simm.s32 @!p0 $0x1BF5;
	p2 =	por !p2, p0  }
0x20: {  	[sflag:s8] =	ssyncset.s32 @!p0 $0xFFFFF086;
	s6 =	sadd.s32 @!p0 s3, s7;
	s7 =	simm.s32 @!p0 $0x108  }
0x21: {  	s3 =	sadd.s32 s3, s9;
	s6 =	sadd.s32 @!p0 $0x88, s6;
	s7 =	simm.s32 @p2 $0x1082  }
0x22: {  	[simem:s7], [sflag:s8] =	dma.local @!p0 [hbm:s6], $0xF7A  }
0x23: {  	s9 =	sor.u32 $0xD0000000, s2;
	s6 =	simm.s32 $0x108;
	_ =	swait.ge @!p0 [sflag:s8], $0x0  }
0x24: {  	s3 =	sadd.s32 $0x88, s3;
	s6 =	simm.s32 @!p1 $0x1082;
	[sflag:s4] =	ssyncset.s32 $0xFFFFF086  }
0x25: {  	[simem:s6], [sflag:s4] =	dma.local [hbm:s3], $0xF7A  }
0x26: {  	[smem:$0x3F9D] =	sst s1;
	(tag) =	ssettag s2;
	_ =	strace s9  }
0x27: {  	s1 =	sld [smem:$0x3FAD]  }
0x28: {  	s2 =	sld [smem:$0x3FAE]  }
0x29: {  	s4 =	sld [smem:$0x3FB0]  }
0x2a: {  	p0 =	seq.s32 s5, $0x0;
	s5 =	sld [smem:$0x3FB1]  }
0x2b: {  	s6 =	sld [smem:$0x3FB2]  }
0x2c: {  	s7 =	sld [smem:$0x3FB3]  }
0x2d: {  	s3 =	simm.s32 $0x108;
	s8 =	sld [smem:$0x3FB4]  }
0x2e: {  	s3 =	simm.s32 @!p0 $0x1082;
	s9 =	sld [smem:$0x3FB5]  }
0x2f: {  	lr =	sadd.s32 s0, s3;
	s0 =	sld [smem:$0x3FAC]  }
0x30: {  	s3 =	sld [smem:$0x3FAF]  }
0x31: {  	[smem:$0x3FB8] =	sst s10  }
0x32: {  	s10 =	sld [smem:$0x3FB6];
	_ =	sdelay $0x3  }
0x33: {  	p0 =	seq.s32 s10, $0x1;
	s10 =	sld [smem:$0x3FB8];
	_ =	sdelay $0x3  }
0x34: {  	[smem:$0x3FB8] =	sst s10  }
0x35: {  	s10 =	sld [smem:$0x3FB7];
	_ =	sdelay $0x3  }
0x36: {  	p1 =	seq.s32 s10, $0x1;
	s10 =	sld [smem:$0x3FB8];
	_ =	sdelay $0x3  }
0x37: {  	[smem:$0x3FB8] =	sst s10  }
0x38: {  	s10 =	sld [smem:$0x3FB9]  }
0x39: {  	_ = 	snop;
	(pc) =	sbr.ind lr, $3  }
0x3a: {  	_ = 	snop  }
0x3b: {  	_ = 	snop  }
0x3c: {  	p2 =	seq.s32 s10, $0x1;
	s10 =	sld [smem:$0x3FB8]  }
0x3d: {  	_ =	shalt  }
0x3e: {  	_ =	shalt  }
0x3f: {  	_ =	shalt  }
0x40: {  	_ =	shalt  }
0x41: {  	_ =	shalt  }
0x42: {  	_ =	shalt  }
0x43: {  	_ =	shalt  }
0x44: {  	_ =	shalt  }
0x45: {  	_ =	shalt  }
0x46: {  	_ =	shalt  }
0x47: {  	_ =	shalt  }
0x48: {  	_ =	shalt  }
0x49: {  	_ =	shalt  }
0x4a: {  	_ =	shalt  }
0x4b: {  	_ =	shalt  }
0x4c: {  	_ =	shalt  }
0x4d: {  	_ =	shalt  }
0x4e: {  	_ =	shalt  }
0x4f: {  	_ =	shalt  }
0x50: {  	_ =	shalt  }
0x51: {  	_ =	shalt  }
0x52: {  	_ =	shalt  }
0x53: {  	_ =	shalt  }
0x54: {  	_ =	shalt  }
0x55: {  	_ =	shalt  }
0x56: {  	_ =	shalt  }
0x57: {  	_ =	shalt  }
0x58: {  	_ =	shalt  }
0x59: {  	_ =	shalt  }
0x5a: {  	_ =	shalt  }
0x5b: {  	_ =	shalt  }
0x5c: {  	_ =	shalt  }
0x5d: {  	_ =	shalt  }
0x5e: {  	_ =	shalt  }
0x5f: {  	_ =	shalt  }
0x60: {  	_ =	shalt  }
0x61: {  	_ =	shalt  }
0x62: {  	_ =	shalt  }
0x63: {  	_ =	shalt  }
0x64: {  	_ =	shalt  }
0x65: {  	_ =	shalt  }
0x66: {  	_ =	shalt  }
0x67: {  	_ =	shalt  }
0x68: {  	_ =	shalt  }
0x69: {  	_ =	shalt  }
0x6a: {  	_ =	shalt  }
0x6b: {  	_ =	shalt  }
0x6c: {  	_ =	shalt  }
0x6d: {  	_ =	shalt  }
0x6e: {  	_ =	shalt  }
0x6f: {  	_ =	shalt  }
0x70: {  	_ =	shalt  }
0x71: {  	_ =	shalt  }
0x72: {  	_ =	shalt  }
0x73: {  	_ =	shalt  }
0x74: {  	_ =	shalt  }
0x75: {  	_ =	shalt  }
0x76: {  	_ =	shalt  }
0x77: {  	_ =	shalt  }
0x78: {  	_ =	shalt  }
0x79: {  	_ =	shalt  }
0x7a: {  	_ =	shalt  }
0x7b: {  	_ =	shalt  }
0x7c: {  	_ =	shalt  }
0x7d: {  	_ =	shalt  }
0x7e: {  	_ =	shalt  }
0x7f: {  	_ =	shalt  }
0x80: {  	_ =	shalt  }
0x81: {  	_ =	shalt  }
0x82: {  	_ =	shalt  }
0x83: {  	_ =	shalt  }
0x84: {  	_ =	shalt  }
0x85: {  	_ =	shalt  }
0x86: {  	_ =	shalt  }
0x87: {  	_ =	shalt  }
.Lfunc_end0:
.L_simem_size_0:
called_computation.1_lowered:
.L_overlay_start_0:
0x88: {  	s2 =	sld [smem:$0x3FD9]  }
0x89: {  	s3 =	sld [smem:$0x3FFE];
	_ =	sdelay $0x1  }
0x8a: {  	s1 =	srdreg.scid  }
0x8b: {  	s0 =	sand.u32 $0x1, s1  }
0x8c: {  	s17 =	sshll.u32 s0, $0xA;
	s2 =	sadd.s32 s3, s2  }
0x8d: {  	s2 =	sadd.s32 s2, s17  }
0x8e: {  	[smem:$0x3FC4] =	sst s2  }
0x8f: {  	_ = 	snop  }
0x90: {  	s2 =	sld [smem:$0x3FD0];
	(tm) =	ssettm $0x1  }
0x91: {  	s18 =	sld [smem:$0x3FFB];
	_ =	sdelay $0x3  }
0x92: {  	_ =	strace s18  }
0x93: {  	s3 =	sld [smem:$0x3FFC];
	_ =	sdelay $0x3  }
0x94: {  	_ =	strace s3  }
0x95: {  	s3 =	sld [smem:$0x3FFD];
	_ =	sdelay $0x3  }
0x96: {  	_ =	strace s3  }
0x97: {  	_ =	strace $0x8FFFFFFF  }
0x98: {  	s19 =	sld [smem:$0x3FDB];
	_ =	sdelay $0x1  }
0x99: {  	s4 =	simm.s32 $_scs_section_size  }
0x9a: {  	s5 =	simm.s32 $_size__tile_overlayer_lowered;
	s6 =	simm.s32 $_tile_overlayer_lowered  }
0x9b: {  	s22 =	simm.s32 $0x1BFF;
	s21 =	sshll.u32 s6, $0x1;
	s3 =	sadd.s32 s4, s19  }
0x9c: {  	s7 =	simm.s32 $0x0;
	s20 =	sshll.u32 s5, $0x1;
	s5 =	sadd.s32 s21, s3  }
0x9d: {  	[timem:s7], [sflag:s22] =	dma.local [hbm:s5], s20  }
0x9e: {  	_ =	swait.ge [sflag:s22], s20  }
0x9f: {  	s4 =	ssub.s32 $0x0, s20;
	[sflag:s22] =	ssyncset.done $0x0  }
0xa0: {  	[sflag:s22] =	ssyncadd.s32 s4;
	_ =	sdelay $0x1  }
0xa1: {  	s23 =	simm.s32 $0x1B8B  }
0xa2: {  	_ =	swait.ge [sflag:s23], $0x1  }
0xa3: {  	[sflag:s23] =	ssyncset.done $0x0  }
0xa4: {  	s25 =	simm.s32 $0x1B8E;
	s24 =	sld [smem:$0x3FFE];
	[sflag:s23] =	ssyncadd.s32 $0xFFFFFFFF  }
0xa5: {  	s26 =	simm.s32 $execute0_lowered;
	[smem:$0x3FD2] =	sst s25  }
0xa6: {  	s5 =	sshll.u32 s26, $0x1;
	_ =	strace $0x80000049;
	[dreg:$0x1] =	wrdreg $0xFFFFFFFF  }
0xa7: {  	s28 =	simm.s32 $_size_execute0_lowered;
	s3 =	sadd.s32 s3, s5;
	[dreg:$0x0] =	wrdreg $0x0  }
0xa8: {  	s5 =	sshll.u32 s28, $0x1;
	[dreg:$0x2] =	wrdreg s3  }
0xa9: {  	[dreg:$0x3] =	wrdreg s5  }
0xaa: {  	[dreg:$0x4] =	wrdreg $0xC0  }
0xab: {  	_ =	task [dreg:s7], $0x5FFFF  }
0xac: {  	[dreg:$0x1] =	wrdreg $0xFFFFFFFF  }
0xad: {  	[dreg:$0x0] =	wrdreg $0x60  }
0xae: {  	[dreg:$0x2] =	wrdreg s2  }
0xaf: {  	[dreg:$0x3] =	wrdreg s24  }
0xb0: {  	[dreg:$0x4] =	wrdreg $0xFAC00  }
0xb1: {  	[dreg:$0x5] =	wrdreg $0x9  }
0xb2: {  	_ =	task.clear_ibuf [dreg:s7], $0x6FFFF;
	_ =	strace $0x90000049  }
0xb3: {  	s29 =	simm.s32 $0x9;
	_ =	strace $0x8000004B  }
0xb4: {  	_ =	swait.ge [sflag:s29], $0x1  }
0xb5: {  	[sflag:s29] =	ssyncadd.s32 $0xFFFFFFFF  }
0xb6: {  	_ =	strace $0x9000004B  }
0xb7: {  	_ =	sfence  }
0xb8: {  	s30 =	sld [smem:$0x0];
	_ =	sdelay $0x2  }
0xb9: {  	s31 =	sshll.u32 s1, $0xD;
	s1 =	sshrl.u32 s1, $0x2  }
0xba: {  	s3 =	sand.u32 $0x4000, s31;
	s1 =	sadd.s32 s1, s30  }
0xbb: {  	s0 =	sor.u32 s3, s0;
	s1 =	sshll.u32 s1, $0x11  }
0xbc: {  	s0 =	sor.u32 s1, s0  }
0xbd: {  	s0 =	sadd.s32 $0x8F2B, s0  }
0xbe: {  	[sflag:s0] =	ssyncadd.remote.s32 $0x1  }
0xbf: {  	_ =	sfence.sel $0xFFFF  }
0xc0: {  	[dreg:$0x0] =	wrdreg $0xFFFFFFFF;
	(pc) =	sbr.abs _section_cstart, $3  }
0xc1: {  	[dreg:$0x1] =	wrdreg $0xFFFFFFFF  }
0xc2: {  	_ =	task.clear_ibuf [dreg:s7], $0x2FFFF;
	_ =	strace $0x9FFFFFFF  }
0xc3: {  	(tm) =	ssettm $0x7FFFFFFF  }
tec
execute0_lowered:
.L_overlay_start_1:
0x0: {  	(tag) =	ssettag $0x1  }
0x1: {  	s1 =	rddreg [dreg:$0x0]  }
0x2: {  	s0 =	rddreg [dreg:$0x1]  }
0x3: {  	s2 =	rddreg [dreg:$0x2]  }
0x4: {  	s3 =	simm.s32 $0x0;
	s4 =	srdreg.scid;
	s12 =	stileid.u32  }
0x5: {  	s28 =	simm.s32 $0xDAC0;
	s29 =	simm.s32 $0x1;
	s30 =	simm.s32 $0x190  }
0x6: {  	s31 =	simm.s32 $0x320;
	[smem:$0x7FF] =	sst s3;
	s5 =	sadd.s32 $0x68000, s0  }
0x7: {  	s6 =	sadd.s32 $0x19E00, s0;
	s4 =	sand.u32 $0x1, s4;
	s7 =	sadd.s32 $0x1400, s0  }
0x8: {  	s9 =	smul.u32 $0x28000, s12;
	s10 =	sadd.s32 $0x90000, s0;
	s0 =	sadd.s32 $0x7C000, s0  }
0x9: {  	s19 =	smul.u32 $0xA000, s12;
	_ =	strace $0x8000004A;
	[dreg:$0x4] =	wrdreg s10  }
0xa: {  	s8 =	ssub.s32 $0x2, s4;
	[dreg:$0x5] =	wrdreg s0;
	s10 =	smul.u32 $0x4E20, s12  }
0xb: {  	p0 =	seq.s32 s4, $0x1;
	s4 =	simm.s32 $0x640;
	s17 =	sshrl.u32 s8, $0x1  }
0xc: {  	s18 =	sshrl.u32 s9, $0x2;
	s25 =	sshrl.u32 s19, $0x3;
	s0 =	ssub.s32 s8, s17  }
0xd: {  	s11 =	sadd.s32 s18, s2;
	[dreg:$0xb] =	wrdreg s25;
	s0 =	smax.u32 s0, $0x1  }
0xe: {  	s12 =	simm.s32 $0x0;
	s21 =	sadd.s32 $0x2000, s11;
	[dreg:$0x6] =	wrdreg s0  }
0xf: {  	s20 =	sadd.s32 $0x4000, s19;
	s22 =	sadd.s32 $0x4000, s11;
	[dreg:$0x7] =	wrdreg s21  }
0x10: {  	s17 =	sadd.s32 $0x2000, s19;
	s23 =	sadd.s32 $0x6000, s11;
	[dreg:$0x8] =	wrdreg s22  }
.Ltmp0:
0x11: {  	s24 =	sadd.s32 $0x8000, s11;
	[dreg:$0x9] =	wrdreg s23;
	(pc) =	sbr.rel .LBB2_1-.Ltmp0, $4  }
0x12: {  	s9 =	simm.s32 $0x6A40;
	s26 =	sshrl.u32 s17, $0x3;
	[dreg:$0xa] =	wrdreg s24  }
0x13: {  	v2 =	vimm.s32 $0x0;
	vm0 =	vcmask $0x300;
	s25 =	sadd.s32 s19, s2;
	s8 =	simm.s32 $0xCE40;
	[dreg:$0xc] =	wrdreg s26  }
0x14: {  	v0 =	vlaneseq.u32;
	v1 =	vimm.f32 $0.0e+00;
	v2 =	vsel vm0, $0x3, v2;
	s21 =	sshrl.u32 s20, $0x3;
	s22 =	sadd.s32 $0x6000, s19;
	s23 =	sadd.s32 $0x8000, s19  }
0x15: {  	v3 =	vor.u32 $0x10, v0;
	v4 =	vor.u32 $0x20, v0;
	v5 =	vor.u32 $0x30, v0;
	s0 =	simm.s32 $0x4B0;
	s24 =	sshrl.u32 s22, $0x3;
	s26 =	sshrl.u32 s23, $0x3  }
.LBB2_18:
0x16: {  	[bflag:$0x0] =	sbarrier.arrive $0xFFFF  }
0x17: {  	[tilespmem:s28], [sflag:$0x1] =	stream.linear.gather [spmem:s25], $0x2000, $0x38;
	[tilespmem:$0x19AC0] =	vst v63  }
0x18: {  	_ =	swait.ge [sflag:s29], $0x2000  }
0x19: {  	[sflag:s29] =	ssyncset.done $0x0;
	s14 =	rddreg [dreg:$0xb]  }
0x1a: {  	s14 =	sadd.s32 s13, s14;
	[sflag:s29] =	ssyncadd.s32 $0xFFFFE000  }
0x1b: {  	[hbm4b:s14+s3] =	stream.linear.scatter [tilespmem:s28], [sflag:$0x1], $0x2000, $0x38;
	[tilespmem:$0x19AC0] =	vst v63  }
0x1c: {  	_ =	swait.ge [sflag:s29], $0x2000  }
0x1d: {  	[sflag:s29] =	ssyncset.done $0x0  }
0x1e: {  	s19 =	sadd.s32 s17, s2;
	[sflag:s29] =	ssyncadd.s32 $0xFFFFE000  }
0x1f: {  	[tilespmem:s28], [sflag:$0x1] =	stream.linear.gather [spmem:s19], $0x2000, $0x38;
	[tilespmem:$0x19AC0] =	vst v63  }
0x20: {  	_ =	swait.ge [sflag:s29], $0x2000  }
0x21: {  	[sflag:s29] =	ssyncset.done $0x0;
	s15 =	rddreg [dreg:$0xc]  }
0x22: {  	s14 =	sadd.s32 s13, s15;
	[sflag:s29] =	ssyncadd.s32 $0xFFFFE000  }
0x23: {  	[hbm4b:s14+s3] =	stream.linear.scatter [tilespmem:s28], [sflag:$0x1], $0x2000, $0x38;
	[tilespmem:$0x19AC0] =	vst v63  }
0x24: {  	_ =	swait.ge [sflag:s29], $0x2000  }
0x25: {  	[sflag:s29] =	ssyncset.done $0x0  }
0x26: {  	s16 =	sadd.s32 s20, s2;
	[sflag:s29] =	ssyncadd.s32 $0xFFFFE000  }
0x27: {  	[tilespmem:s28], [sflag:$0x1] =	stream.linear.gather [spmem:s16], $0x2000, $0x38;
	[tilespmem:$0x19AC0] =	vst v63  }
0x28: {  	_ =	swait.ge [sflag:s29], $0x2000  }
0x29: {  	[sflag:s29] =	ssyncset.done $0x0  }
0x2a: {  	s18 =	sadd.s32 s13, s21;
	[sflag:s29] =	ssyncadd.s32 $0xFFFFE000  }
0x2b: {  	[hbm4b:s18+s3] =	stream.linear.scatter [tilespmem:s28], [sflag:$0x1], $0x2000, $0x38;
	[tilespmem:$0x19AC0] =	vst v63  }
0x2c: {  	_ =	swait.ge [sflag:s29], $0x2000  }
0x2d: {  	[sflag:s29] =	ssyncset.done $0x0  }
0x2e: {  	s19 =	sadd.s32 s22, s2;
	[sflag:s29] =	ssyncadd.s32 $0xFFFFE000  }
0x2f: {  	[tilespmem:s28], [sflag:$0x1] =	stream.linear.gather [spmem:s19], $0x2000, $0x38;
	[tilespmem:$0x19AC0] =	vst v63  }
0x30: {  	_ =	swait.ge [sflag:s29], $0x2000  }
0x31: {  	[sflag:s29] =	ssyncset.done $0x0  }
0x32: {  	s15 =	sadd.s32 s13, s24;
	[sflag:s29] =	ssyncadd.s32 $0xFFFFE000  }
0x33: {  	[hbm4b:s15+s3] =	stream.linear.scatter [tilespmem:s28], [sflag:$0x1], $0x2000, $0x38;
	[tilespmem:$0x19AC0] =	vst v63  }
0x34: {  	_ =	swait.ge [sflag:s29], $0x2000  }
0x35: {  	[sflag:s29] =	ssyncset.done $0x0  }
0x36: {  	s16 =	sadd.s32 s23, s2;
	[sflag:s29] =	ssyncadd.s32 $0xFFFFE000  }
0x37: {  	[tilespmem:s28], [sflag:$0x1] =	stream.linear.gather [spmem:s16], $0x2000, $0x38;
	[tilespmem:$0x19AC0] =	vst v63  }
0x38: {  	_ =	swait.ge [sflag:s29], $0x2000  }
0x39: {  	[sflag:s29] =	ssyncset.done $0x0  }
0x3a: {  	s18 =	sadd.s32 s13, s26;
	[sflag:s29] =	ssyncadd.s32 $0xFFFFE000  }
0x3b: {  	[hbm4b:s18+s3] =	stream.linear.scatter [tilespmem:s28], [sflag:$0x1], $0x2000, $0x38;
	[tilespmem:$0x19AC0] =	vst v63  }
0x3c: {  	_ =	swait.ge [sflag:s29], $0x2000  }
0x3d: {  	s12 =	sadd.s32 $0x1, s12;
	s19 =	rddreg [dreg:$0x6]  }
0x3e: {  	p1 =	sne.s32 s12, s19  }
.Ltmp1:
0x3f: {  	_ = 	snop;
	(pc) =	sbr.rel @!p1 .LBB2_19-.Ltmp1, $3  }
0x40: {  	_ =	sdelay $0x1  }
0x41: {  	[sflag:s29] =	ssyncset.done $0x0  }
0x42: {  	[sflag:s29] =	ssyncadd.s32 $0xFFFFE000  }
.LBB2_1:
0x43: {  	s13 =	simm.s32 $0x10;
	v6 =	vor.u32 s3, v0  }
.LBB2_2:
0x44: {  	p1 =	sne.s32 s13, $0x1FF0  }
.Ltmp2:
0x45: {  	_ = 	snop;
	(pc) =	sbr.rel @p1 .LBB2_2-.Ltmp2, $3  }
0x46: {  	_ =	sdelay $0x1  }
0x47: {  	[tilespmem:v6+s28+$0x0] =	vst.idx.msk $0xffff, v1;
	s14 =	smov.u32 s13;
	s13 =	sadd.s32 $0x10, s13  }
0x48: {  	v6 =	vor.u32 s14, v0  }
0x49: {  	_ =	sdelay $0x3  }
.Ltmp3:
0x4a: {  	[tilespmem:v6+s28+$0x0] =	vst.idx.msk $0xffff, v1;
	(pc) =	sbr.rel @!p0 .LBB2_4-.Ltmp3, $4  }
0x4b: {  	[spmem:s11] =	stream.linear.scatter [tilespmem:s28], [sflag:$0x1], $0x2000, $0x38;
	[tilespmem:$0x19AC0] =	vst v63  }
0x4c: {  	_ =	swait.ge [sflag:s29], $0x2000  }
0x4d: {  	[sflag:s29] =	ssyncset.done $0x0  }
0x4e: {  	[sflag:s29] =	ssyncadd.s32 $0xFFFFE000  }
0x4f: {  	s13 =	rddreg [dreg:$0x7]  }
0x50: {  	[spmem:s13] =	stream.linear.scatter [tilespmem:s28], [sflag:$0x1], $0x2000, $0x38;
	[tilespmem:$0x19AC0] =	vst v63  }
0x51: {  	_ =	swait.ge [sflag:s29], $0x2000  }
0x52: {  	[sflag:s29] =	ssyncset.done $0x0  }
0x53: {  	s16 =	rddreg [dreg:$0x8];
	[sflag:s29] =	ssyncadd.s32 $0xFFFFE000  }
0x54: {  	[spmem:s16] =	stream.linear.scatter [tilespmem:s28], [sflag:$0x1], $0x2000, $0x38;
	[tilespmem:$0x19AC0] =	vst v63  }
0x55: {  	_ =	swait.ge [sflag:s29], $0x2000  }
0x56: {  	[sflag:s29] =	ssyncset.done $0x0  }
0x57: {  	s18 =	rddreg [dreg:$0x9];
	[sflag:s29] =	ssyncadd.s32 $0xFFFFE000  }
0x58: {  	[spmem:s18] =	stream.linear.scatter [tilespmem:s28], [sflag:$0x1], $0x2000, $0x38;
	[tilespmem:$0x19AC0] =	vst v63  }
0x59: {  	_ =	swait.ge [sflag:s29], $0x2000  }
0x5a: {  	[sflag:s29] =	ssyncset.done $0x0  }
0x5b: {  	s19 =	rddreg [dreg:$0xa];
	[sflag:s29] =	ssyncadd.s32 $0xFFFFE000  }
0x5c: {  	[spmem:s19] =	stream.linear.scatter [tilespmem:s28], [sflag:$0x1], $0x2000, $0x38;
	[tilespmem:$0x19AC0] =	vst v63  }
0x5d: {  	_ =	swait.ge [sflag:s29], $0x2000  }
0x5e: {  	[sflag:s29] =	ssyncset.done $0x0  }
0x5f: {  	[sflag:s29] =	ssyncadd.s32 $0xFFFFE000  }
0x60: {  	s14 =	simm.s32 $0x0;
	s13 =	simm.s32 $0x0;
	[bflag:$0x0] =	sbarrier.arrive $0xFFFF  }
.LBB2_12:
0x61: {  	s15 =	smul.u32 $0x190, s14;
	_ =	sdelay $0x1  }
0x62: {  	s15 =	sadd.s32 s10, s15  }
0x63: {  	s16 =	sshrl.u32 s15, $0x3  }
0x64: {  	s16 =	sadd.s32 s7, s16  }
0x65: {  	[tilespmem:s13], [sflag:$0x1] =	stream.linear.gather [hbm4b:s16+s13], $0x190, $0x38;
	[tilespmem:$0x19AC0] =	vst v63  }
0x66: {  	_ =	swait.ge [sflag:s29], $0x190  }
0x67: {  	s18 =	simm.s32 $0x0;
	[sflag:s29] =	ssyncset.done $0x0  }
0x68: {  	v7 =	vor.u32 s18, v0;
	s16 =	sadd.s32 $0x9C40, s16;
	[sflag:s29] =	ssyncadd.s32 $0xFFFFFE70  }
0x69: {  	[tilespmem:s30], [sflag:$0x1] =	stream.linear.gather [hbm4b:s16+s13], $0x190, $0x38;
	[tilespmem:$0x19AC0] =	vst v63  }
0x6a: {  	_ =	swait.ge [sflag:s29], $0x190  }
0x6b: {  	[sflag:s29] =	ssyncset.done $0x0  }
0x6c: {  	[sflag:s29] =	ssyncadd.s32 $0xFFFFFE70  }
0x6d: {  	v6 =	vor.u32 s13, v0;
	v8 =	vld.idx.msk [tilespmem:v7+s3+$0x0], $0xffff;
	_ =	sdelay $0x4  }
0x6e: {  	[tilespmem:v6+s31+$0x0] =	vst.idx.msk $0xffff, v8  }
0x6f: {  	s19 =	simm.s32 $0x10;
	s18 =	simm.s32 $0x2;
	s16 =	simm.s32 $0x0;
	v7 =	vld.idx.msk [tilespmem:v7+s30+$0x0], $0xffff  }
.LBB2_13:
0x70: {  	p1 =	sne.s32 s18, $0x18;
	v8 =	vor.u32 s19, v0;
	_ =	sdelay $0x3  }
0x71: {  	[tilespmem:v6+s0+$0x0] =	vst.idx.msk $0xffff, v7  }
0x72: {  	s16 =	sadd.s32 $0x10, s16;
	v7 =	vld.idx.msk [tilespmem:v8+s3+$0x0], $0xffff  }
0x73: {  	v6 =	vor.u32 s16, v0;
	_ =	sdelay $0x2  }
.Ltmp4:
0x74: {  	(pc) =	sbr.rel @p1 .LBB2_13-.Ltmp4, $4  }
0x75: {  	_ = 	snop  }
0x76: {  	[tilespmem:v6+s31+$0x0] =	vst.idx.msk $0xffff, v7  }
0x77: {  	v7 =	vld.idx.msk [tilespmem:v8+s30+$0x0], $0xffff  }
0x78: {  	s19 =	sshll.u32 s18, $0x4;
	s18 =	sadd.s32 $0x1, s18  }
0x79: {  	v8 =	vor.u32 s19, v0;
	_ =	sdelay $0x3  }
0x7a: {  	s16 =	sadd.s32 $0x10, s16;
	[tilespmem:v6+s0+$0x0] =	vst.idx.msk $0xffff, v7  }
0x7b: {  	v7 =	vor.u32 s16, v0;
	v6 =	vld.idx.msk [tilespmem:v8+s3+$0x0], $0xffff;
	_ =	sdelay $0x4  }
0x7c: {  	[tilespmem:v7+s31+$0x0] =	vst.idx.msk $0xffff, v6  }
0x7d: {  	v6 =	vld.idx.msk [tilespmem:v8+s30+$0x0], $0xffff;
	_ =	sdelay $0x2  }
0x7e: {  	s16 =	simm.s32 $0x0  }
0x7f: {  	s18 =	sand.u32 $0x78, s16  }
0x80: {  	s19 =	simm.s32 $0x0;
	[tilespmem:v7+s0+$0x0] =	vst.idx.msk $0xffff, v6;
	v6 =	vmov s18  }
0x81: {  	s18 =	sand.u32 $0xFFFFFF80, s19;
	v6 =	vshrl.u32 v6, $0x3  }
0x82: {  	[tilespmem:s4], [sflag:$0x1] =	stream.indirect.gather [hbm4b:s5+s30], $0x40, s31, s30, $0xb8;
	v6 =	vshll.u32 v6, v2;
	[tilespmem:$0x19AC0] =	vst v63  }
0x83: {  	_ =	swait.ge [sflag:s29], $0x6400;
	v6 =	vor.u32 s18, v6  }
0x84: {  	[sflag:s29] =	ssyncset.done $0x0;
	s18 =	simm.s32 $0x0;
	v7 =	vadd.s32 $0x4, v6  }
0x85: {  	s15 =	sadd.s32 s6, s15;
	[sflag:s29] =	ssyncadd.s32 $0xFFFF9C00;
	v8 =	vor.u32 s18, v0;
	v7 =	vbroadcast v7, $0x0  }
0x86: {  	[tilespmem:s8], [sflag:$0x1] =	stream.linear.gather [hbm4b:s15+s16], $0xC80, $0x38;
	[tilespmem:$0x19AC0] =	vst v63  }
0x87: {  	_ =	swait.ge [sflag:s29], $0xC80  }
0x88: {  	[sflag:s29] =	ssyncset.done $0x0  }
0x89: {  	[sflag:s29] =	ssyncadd.s32 $0xFFFFF380  }
0x8a: {  	v9 =	vld.idx.msk [tilespmem:v8+s4+$0x0], $0xffff  }
0x8b: {  	v7 =	vld.idx.msk [tilespmem:v7+s8+$0x0], $0xffff  }
0x8c: {  	v10 =	vadd.s32 $0x5, v6  }
0x8d: {  	v10 =	vbroadcast v10, $0x0;
	_ =	sdelay $0x1  }
0x8e: {  	v11 =	vor.u32 s18, v3  }
0x8f: {  	v7 =	vmul.f32 v9, v7;
	_ =	sdelay $0x1  }
0x90: {  	[tilespmem:v8+s9+$0x0] =	vst.idx.msk $0xffff, v7  }
0x91: {  	v7 =	vld.idx.msk [tilespmem:v10+s8+$0x0], $0xffff  }
0x92: {  	v8 =	vld.idx.msk [tilespmem:v11+s4+$0x0], $0xffff  }
0x93: {  	v9 =	vadd.s32 $0x6, v6  }
0x94: {  	v9 =	vbroadcast v9, $0x0;
	_ =	sdelay $0x1  }
0x95: {  	v10 =	vor.u32 s18, v4  }
0x96: {  	v7 =	vmul.f32 v8, v7;
	_ =	sdelay $0x1  }
0x97: {  	[tilespmem:v11+s9+$0x0] =	vst.idx.msk $0xffff, v7  }
0x98: {  	v8 =	vld.idx.msk [tilespmem:v9+s8+$0x0], $0xffff  }
0x99: {  	v9 =	vld.idx.msk [tilespmem:v10+s4+$0x0], $0xffff  }
0x9a: {  	v6 =	vadd.s32 $0x7, v6  }
0x9b: {  	v6 =	vbroadcast v6, $0x0;
	_ =	sdelay $0x1  }
0x9c: {  	v7 =	vor.u32 s18, v5  }
0x9d: {  	s15 =	simm.s32 $0x8;
	v8 =	vmul.f32 v9, v8  }
0x9e: {  	s19 =	sand.u32 $0x78, s15  }
0x9f: {  	v11 =	vmov s19;
	[tilespmem:v10+s9+$0x0] =	vst.idx.msk $0xffff, v8  }
0xa0: {  	s19 =	simm.s32 $0x8;
	v9 =	vshrl.u32 v11, $0x3;
	v10 =	vld.idx.msk [tilespmem:v6+s8+$0x0], $0xffff  }
0xa1: {  	s16 =	sand.u32 $0xFFFFFF80, s19;
	v9 =	vshll.u32 v9, v2;
	v12 =	vld.idx.msk [tilespmem:v7+s4+$0x0], $0xffff  }
0xa2: {  	s18 =	simm.s32 $0x40;
	v14 =	vor.u32 s16, v9  }
0xa3: {  	v9 =	vor.u32 s18, v0;
	v6 =	vadd.s32 $0x4, v14;
	v11 =	vadd.s32 $0x5, v14  }
0xa4: {  	s16 =	simm.s32 $0x2;
	v8 =	vadd.s32 $0x6, v14;
	v13 =	vbroadcast v6, $0x0;
	v6 =	vadd.s32 $0x7, v14  }
.LBB2_15:
0xa5: {  	p1 =	sne.s32 s16, $0x18F;
	s19 =	smov.u32 s16;
	s16 =	sadd.s32 $0x1, s16  }
0xa6: {  	v10 =	vmul.f32 v12, v10;
	_ =	sdelay $0x1  }
0xa7: {  	[tilespmem:v7+s9+$0x0] =	vst.idx.msk $0xffff, v10  }
0xa8: {  	v7 =	vld.idx.msk [tilespmem:v9+s4+$0x0], $0xffff  }
0xa9: {  	v10 =	vld.idx.msk [tilespmem:v13+s8+$0x0], $0xffff;
	_ =	sdelay $0x2  }
0xaa: {  	v11 =	vbroadcast v11, $0x0  }
0xab: {  	v12 =	vor.u32 s18, v3;
	_ =	sdelay $0x1  }
0xac: {  	v7 =	vmul.f32 v7, v10;
	_ =	sdelay $0x1  }
0xad: {  	[tilespmem:v9+s9+$0x0] =	vst.idx.msk $0xffff, v7  }
0xae: {  	v7 =	vld.idx.msk [tilespmem:v11+s8+$0x0], $0xffff  }
0xaf: {  	v9 =	vld.idx.msk [tilespmem:v12+s4+$0x0], $0xffff;
	_ =	sdelay $0x2  }
0xb0: {  	v8 =	vbroadcast v8, $0x0  }
0xb1: {  	v10 =	vor.u32 s18, v4;
	_ =	sdelay $0x1  }
0xb2: {  	v7 =	vmul.f32 v9, v7;
	_ =	sdelay $0x1  }
0xb3: {  	[tilespmem:v12+s9+$0x0] =	vst.idx.msk $0xffff, v7  }
0xb4: {  	v8 =	vld.idx.msk [tilespmem:v8+s8+$0x0], $0xffff  }
0xb5: {  	v9 =	vld.idx.msk [tilespmem:v10+s4+$0x0], $0xffff;
	_ =	sdelay $0x2  }
0xb6: {  	v6 =	vbroadcast v6, $0x0  }
0xb7: {  	v7 =	vor.u32 s18, v5;
	_ =	sdelay $0x1  }
0xb8: {  	v8 =	vmul.f32 v9, v8  }
0xb9: {  	s15 =	sadd.s32 $0x8, s15  }
0xba: {  	s18 =	sand.u32 $0x78, s15;
	[tilespmem:v10+s9+$0x0] =	vst.idx.msk $0xffff, v8  }
0xbb: {  	v8 =	vmov s18;
	v10 =	vld.idx.msk [tilespmem:v6+s8+$0x0], $0xffff  }
.Ltmp5:
0xbc: {  	s18 =	sshll.u32 s19, $0x3;
	v6 =	vshrl.u32 v8, $0x3;
	v12 =	vld.idx.msk [tilespmem:v7+s4+$0x0], $0xffff;
	(pc) =	sbr.rel @p1 .LBB2_15-.Ltmp5, $4  }
0xbd: {  	s18 =	sand.u32 $0xFFFFFF80, s18;
	v6 =	vshll.u32 v6, v2  }
0xbe: {  	v6 =	vor.u32 s18, v6  }
0xbf: {  	s18 =	sshll.u32 s19, $0x6;
	v9 =	vadd.s32 $0x4, v6;
	v11 =	vadd.s32 $0x5, v6;
	v8 =	vadd.s32 $0x6, v6  }
0xc0: {  	v6 =	vadd.s32 $0x7, v6;
	v13 =	vbroadcast v9, $0x0;
	v9 =	vor.u32 s18, v0  }
0xc1: {  	_ =	sdelay $0x1  }
0xc2: {  	v10 =	vmul.f32 v12, v10;
	_ =	sdelay $0x1  }
0xc3: {  	[tilespmem:v7+s9+$0x0] =	vst.idx.msk $0xffff, v10  }
0xc4: {  	v7 =	vld.idx.msk [tilespmem:v9+s4+$0x0], $0xffff  }
0xc5: {  	v10 =	vld.idx.msk [tilespmem:v13+s8+$0x0], $0xffff;
	_ =	sdelay $0x1  }
0xc6: {  	v11 =	vbroadcast v11, $0x0;
	_ =	sdelay $0x1  }
0xc7: {  	v60 =	vor.u32 s18, v3  }
0xc8: {  	v7 =	vmul.f32 v7, v10;
	_ =	sdelay $0x1  }
0xc9: {  	[tilespmem:v9+s9+$0x0] =	vst.idx.msk $0xffff, v7  }
0xca: {  	v7 =	vld.idx.msk [tilespmem:v11+s8+$0x0], $0xffff  }
0xcb: {  	v9 =	vld.idx.msk [tilespmem:v60+s4+$0x0], $0xffff;
	_ =	sdelay $0x1  }
0xcc: {  	v8 =	vbroadcast v8, $0x0;
	_ =	sdelay $0x1  }
0xcd: {  	v61 =	vor.u32 s18, v4  }
0xce: {  	v7 =	vmul.f32 v9, v7;
	_ =	sdelay $0x1  }
0xcf: {  	[tilespmem:v60+s9+$0x0] =	vst.idx.msk $0xffff, v7  }
0xd0: {  	v7 =	vld.idx.msk [tilespmem:v8+s8+$0x0], $0xffff  }
0xd1: {  	v62 =	vld.idx.msk [tilespmem:v61+s4+$0x0], $0xffff;
	_ =	sdelay $0x1  }
0xd2: {  	v6 =	vbroadcast v6, $0x0;
	_ =	sdelay $0x1  }
0xd3: {  	v63 =	vor.u32 s18, v5  }
0xd4: {  	v7 =	vmul.f32 v62, v7;
	_ =	sdelay $0x1  }
0xd5: {  	[tilespmem:v61+s9+$0x0] =	vst.idx.msk $0xffff, v7  }
0xd6: {  	v6 =	vld.idx.msk [tilespmem:v6+s8+$0x0], $0xffff  }
0xd7: {  	v7 =	vld.idx.msk [tilespmem:v63+s4+$0x0], $0xffff;
	_ =	sdelay $0x4  }
0xd8: {  	s14 =	sadd.s32 $0x1, s14;
	v6 =	vmul.f32 v7, v6  }
0xd9: {  	p1 =	sne.s32 s14, $0x32  }
.Ltmp6:
0xda: {  	[tilespmem:v63+s9+$0x0] =	vst.idx.msk $0xffff, v6;
	(pc) =	sbr.rel @p1 .LBB2_12-.Ltmp6, $4  }
0xdb: {  	[spmem:s2] =	stream.indirect.scatter.add.f32 [tilespmem:s9], [sflag:$0x1], $0x40, s0, s30, $0xb8;
	[tilespmem:$0x19AC0] =	vst v63  }
0xdc: {  	_ =	swait.ge [sflag:s29], $0x6400  }
0xdd: {  	[sflag:s29] =	ssyncset.done $0x0  }
0xde: {  	[sflag:s29] =	ssyncadd.s32 $0xFFFF9C00  }
.Ltmp7:
0xdf: {  	(pc) =	sbr.rel .LBB2_18-.Ltmp7, $2  }
0xe0: {  	_ =	sdelay $0x2  }
0xe1: {  	s13 =	rddreg [dreg:$0x5]  }
.LBB2_4:
0xe2: {  	s13 =	rddreg [dreg:$0x7]  }
0xe3: {  	[spmem:s13] =	stream.linear.scatter [tilespmem:s28], [sflag:$0x1], $0x2000, $0x38;
	[tilespmem:$0x19AC0] =	vst v63  }
0xe4: {  	_ =	swait.ge [sflag:s29], $0x2000  }
0xe5: {  	[sflag:s29] =	ssyncset.done $0x0  }
0xe6: {  	s16 =	rddreg [dreg:$0x8];
	[sflag:s29] =	ssyncadd.s32 $0xFFFFE000  }
0xe7: {  	[spmem:s16] =	stream.linear.scatter [tilespmem:s28], [sflag:$0x1], $0x2000, $0x38;
	[tilespmem:$0x19AC0] =	vst v63  }
0xe8: {  	_ =	swait.ge [sflag:s29], $0x2000  }
0xe9: {  	[sflag:s29] =	ssyncset.done $0x0  }
0xea: {  	s18 =	rddreg [dreg:$0x9];
	[sflag:s29] =	ssyncadd.s32 $0xFFFFE000  }
0xeb: {  	[spmem:s18] =	stream.linear.scatter [tilespmem:s28], [sflag:$0x1], $0x2000, $0x38;
	[tilespmem:$0x19AC0] =	vst v63  }
0xec: {  	_ =	swait.ge [sflag:s29], $0x2000  }
0xed: {  	[sflag:s29] =	ssyncset.done $0x0  }
0xee: {  	s19 =	rddreg [dreg:$0xa];
	[sflag:s29] =	ssyncadd.s32 $0xFFFFE000  }
0xef: {  	[spmem:s19] =	stream.linear.scatter [tilespmem:s28], [sflag:$0x1], $0x2000, $0x38;
	[tilespmem:$0x19AC0] =	vst v63  }
0xf0: {  	_ =	swait.ge [sflag:s29], $0x2000  }
0xf1: {  	[sflag:s29] =	ssyncset.done $0x0  }
0xf2: {  	[sflag:s29] =	ssyncadd.s32 $0xFFFFE000  }
0xf3: {  	s14 =	simm.s32 $0x0;
	s13 =	simm.s32 $0x0;
	[bflag:$0x0] =	sbarrier.arrive $0xFFFF  }
.LBB2_5:
0xf4: {  	s15 =	smul.u32 $0x190, s14;
	_ =	sdelay $0x1  }
0xf5: {  	s15 =	sadd.s32 s10, s15  }
0xf6: {  	s16 =	sshrl.u32 s15, $0x3  }
0xf7: {  	s16 =	sadd.s32 s7, s16  }
0xf8: {  	[tilespmem:s13], [sflag:$0x1] =	stream.linear.gather [hbm4b:s16+s13], $0x190, $0x38;
	[tilespmem:$0x19AC0] =	vst v63  }
0xf9: {  	_ =	swait.ge [sflag:s29], $0x190  }
0xfa: {  	s18 =	simm.s32 $0x0;
	[sflag:s29] =	ssyncset.done $0x0  }
0xfb: {  	v7 =	vor.u32 s18, v0;
	s16 =	sadd.s32 $0x9C40, s16;
	[sflag:s29] =	ssyncadd.s32 $0xFFFFFE70  }
0xfc: {  	[tilespmem:s30], [sflag:$0x1] =	stream.linear.gather [hbm4b:s16+s13], $0x190, $0x38;
	[tilespmem:$0x19AC0] =	vst v63  }
0xfd: {  	_ =	swait.ge [sflag:s29], $0x190  }
0xfe: {  	[sflag:s29] =	ssyncset.done $0x0  }
0xff: {  	[sflag:s29] =	ssyncadd.s32 $0xFFFFFE70  }
0x100: {  	v6 =	vor.u32 s13, v0;
	v8 =	vld.idx.msk [tilespmem:v7+s3+$0x0], $0xffff;
	_ =	sdelay $0x4  }
0x101: {  	[tilespmem:v6+s31+$0x0] =	vst.idx.msk $0xffff, v8  }
0x102: {  	s19 =	simm.s32 $0x10;
	s18 =	simm.s32 $0x2;
	s16 =	simm.s32 $0x0;
	v7 =	vld.idx.msk [tilespmem:v7+s30+$0x0], $0xffff  }
.LBB2_6:
0x103: {  	p1 =	sne.s32 s18, $0x18;
	v8 =	vor.u32 s19, v0;
	_ =	sdelay $0x3  }
0x104: {  	[tilespmem:v6+s0+$0x0] =	vst.idx.msk $0xffff, v7  }
0x105: {  	s16 =	sadd.s32 $0x10, s16;
	v7 =	vld.idx.msk [tilespmem:v8+s3+$0x0], $0xffff  }
0x106: {  	v6 =	vor.u32 s16, v0;
	_ =	sdelay $0x2  }
.Ltmp8:
0x107: {  	(pc) =	sbr.rel @p1 .LBB2_6-.Ltmp8, $4  }
0x108: {  	_ = 	snop  }
0x109: {  	[tilespmem:v6+s31+$0x0] =	vst.idx.msk $0xffff, v7  }
0x10a: {  	v7 =	vld.idx.msk [tilespmem:v8+s30+$0x0], $0xffff  }
0x10b: {  	s19 =	sshll.u32 s18, $0x4;
	s18 =	sadd.s32 $0x1, s18  }
0x10c: {  	v8 =	vor.u32 s19, v0;
	_ =	sdelay $0x3  }
0x10d: {  	s16 =	sadd.s32 $0x10, s16;
	[tilespmem:v6+s0+$0x0] =	vst.idx.msk $0xffff, v7  }
0x10e: {  	v7 =	vor.u32 s16, v0;
	v6 =	vld.idx.msk [tilespmem:v8+s3+$0x0], $0xffff;
	_ =	sdelay $0x4  }
0x10f: {  	[tilespmem:v7+s31+$0x0] =	vst.idx.msk $0xffff, v6  }
0x110: {  	v6 =	vld.idx.msk [tilespmem:v8+s30+$0x0], $0xffff;
	_ =	sdelay $0x2  }
0x111: {  	s16 =	simm.s32 $0x0  }
0x112: {  	s18 =	sand.u32 $0x78, s16  }
0x113: {  	s19 =	simm.s32 $0x0;
	[tilespmem:v7+s0+$0x0] =	vst.idx.msk $0xffff, v6;
	v6 =	vmov s18  }
0x114: {  	[tilespmem:s4], [sflag:$0x1] =	stream.indirect.gather [hbm4b:s1+s30], $0x40, s31, s30, $0xb8;
	v6 =	vshrl.u32 v6, $0x3;
	[tilespmem:$0x19AC0] =	vst v63  }
0x115: {  	s18 =	sand.u32 $0xFFFFFF80, s19;
	_ =	swait.ge [sflag:s29], $0x6400;
	v6 =	vshll.u32 v6, v2  }
0x116: {  	s19 =	simm.s32 $0x0;
	[sflag:s29] =	ssyncset.done $0x0;
	v6 =	vor.u32 s18, v6  }
0x117: {  	s15 =	sadd.s32 s6, s15;
	v8 =	vor.u32 s19, v0;
	[sflag:s29] =	ssyncadd.s32 $0xFFFF9C00;
	v7 =	vbroadcast v6, $0x0  }
0x118: {  	[tilespmem:s8], [sflag:$0x1] =	stream.linear.gather [hbm4b:s15+s16], $0xC80, $0x38;
	[tilespmem:$0x19AC0] =	vst v63  }
0x119: {  	_ =	swait.ge [sflag:s29], $0xC80  }
0x11a: {  	[sflag:s29] =	ssyncset.done $0x0  }
0x11b: {  	[sflag:s29] =	ssyncadd.s32 $0xFFFFF380  }
0x11c: {  	v9 =	vld.idx.msk [tilespmem:v8+s4+$0x0], $0xffff  }
0x11d: {  	v7 =	vld.idx.msk [tilespmem:v7+s8+$0x0], $0xffff  }
0x11e: {  	v10 =	vadd.s32 $0x1, v6  }
0x11f: {  	v10 =	vbroadcast v10, $0x0;
	_ =	sdelay $0x1  }
0x120: {  	v11 =	vor.u32 s19, v3  }
0x121: {  	v7 =	vmul.f32 v9, v7;
	_ =	sdelay $0x1  }
0x122: {  	[tilespmem:v8+s9+$0x0] =	vst.idx.msk $0xffff, v7  }
0x123: {  	v7 =	vld.idx.msk [tilespmem:v10+s8+$0x0], $0xffff  }
0x124: {  	v8 =	vld.idx.msk [tilespmem:v11+s4+$0x0], $0xffff  }
0x125: {  	v9 =	vadd.s32 $0x2, v6  }
0x126: {  	v9 =	vbroadcast v9, $0x0;
	_ =	sdelay $0x1  }
0x127: {  	v10 =	vor.u32 s19, v4  }
0x128: {  	v7 =	vmul.f32 v8, v7;
	_ =	sdelay $0x1  }
0x129: {  	[tilespmem:v11+s9+$0x0] =	vst.idx.msk $0xffff, v7  }
0x12a: {  	v8 =	vld.idx.msk [tilespmem:v9+s8+$0x0], $0xffff  }
0x12b: {  	v9 =	vld.idx.msk [tilespmem:v10+s4+$0x0], $0xffff  }
0x12c: {  	v6 =	vadd.s32 $0x3, v6  }
0x12d: {  	v6 =	vbroadcast v6, $0x0;
	_ =	sdelay $0x1  }
0x12e: {  	s15 =	simm.s32 $0x8;
	v7 =	vor.u32 s19, v5  }
0x12f: {  	s18 =	sand.u32 $0x78, s15;
	v8 =	vmul.f32 v9, v8  }
0x130: {  	v9 =	vmov s18  }
0x131: {  	v9 =	vshrl.u32 v9, $0x3;
	[tilespmem:v10+s9+$0x0] =	vst.idx.msk $0xffff, v8  }
0x132: {  	v8 =	vshll.u32 v9, v2;
	v9 =	vld.idx.msk [tilespmem:v6+s8+$0x0], $0xffff  }
0x133: {  	s19 =	simm.s32 $0x8;
	v10 =	vld.idx.msk [tilespmem:v7+s4+$0x0], $0xffff  }
0x134: {  	s16 =	sand.u32 $0xFFFFFF80, s19  }
0x135: {  	s18 =	simm.s32 $0x40;
	v6 =	vor.u32 s16, v8  }
0x136: {  	s16 =	simm.s32 $0x2;
	v8 =	vor.u32 s18, v0;
	v12 =	vbroadcast v6, $0x0;
	v11 =	vadd.s32 $0x1, v6  }
.LBB2_8:
0x137: {  	p1 =	sne.s32 s16, $0x18F;
	v13 =	vadd.s32 $0x3, v6;
	s19 =	smov.u32 s16;
	s16 =	sadd.s32 $0x1, s16  }
0x138: {  	v9 =	vmul.f32 v10, v9;
	_ =	sdelay $0x1  }
0x139: {  	[tilespmem:v7+s9+$0x0] =	vst.idx.msk $0xffff, v9  }
0x13a: {  	v7 =	vld.idx.msk [tilespmem:v8+s4+$0x0], $0xffff  }
0x13b: {  	v9 =	vld.idx.msk [tilespmem:v12+s8+$0x0], $0xffff;
	_ =	sdelay $0x2  }
0x13c: {  	v10 =	vbroadcast v11, $0x0  }
0x13d: {  	v11 =	vor.u32 s18, v3;
	_ =	sdelay $0x1  }
0x13e: {  	v7 =	vmul.f32 v7, v9;
	_ =	sdelay $0x1  }
0x13f: {  	[tilespmem:v8+s9+$0x0] =	vst.idx.msk $0xffff, v7  }
0x140: {  	v7 =	vld.idx.msk [tilespmem:v10+s8+$0x0], $0xffff  }
0x141: {  	v8 =	vld.idx.msk [tilespmem:v11+s4+$0x0], $0xffff;
	_ =	sdelay $0x1  }
0x142: {  	v6 =	vadd.s32 $0x2, v6  }
0x143: {  	v6 =	vbroadcast v6, $0x0  }
0x144: {  	v9 =	vor.u32 s18, v4;
	_ =	sdelay $0x1  }
0x145: {  	v7 =	vmul.f32 v8, v7;
	_ =	sdelay $0x1  }
0x146: {  	[tilespmem:v11+s9+$0x0] =	vst.idx.msk $0xffff, v7  }
0x147: {  	v6 =	vld.idx.msk [tilespmem:v6+s8+$0x0], $0xffff  }
0x148: {  	v8 =	vld.idx.msk [tilespmem:v9+s4+$0x0], $0xffff;
	_ =	sdelay $0x2  }
0x149: {  	v10 =	vbroadcast v13, $0x0  }
0x14a: {  	v7 =	vor.u32 s18, v5;
	_ =	sdelay $0x1  }
0x14b: {  	v6 =	vmul.f32 v8, v6;
	_ =	sdelay $0x1  }
0x14c: {  	s15 =	sadd.s32 $0x8, s15;
	[tilespmem:v9+s9+$0x0] =	vst.idx.msk $0xffff, v6  }
0x14d: {  	s18 =	sand.u32 $0x78, s15;
	v9 =	vld.idx.msk [tilespmem:v10+s8+$0x0], $0xffff  }
.Ltmp9:
0x14e: {  	v6 =	vmov s18;
	v10 =	vld.idx.msk [tilespmem:v7+s4+$0x0], $0xffff;
	(pc) =	sbr.rel @p1 .LBB2_8-.Ltmp9, $4  }
0x14f: {  	s18 =	sshll.u32 s19, $0x3;
	v6 =	vshrl.u32 v6, $0x3  }
0x150: {  	s18 =	sand.u32 $0xFFFFFF80, s18;
	v6 =	vshll.u32 v6, v2  }
0x151: {  	v6 =	vor.u32 s18, v6;
	s18 =	sshll.u32 s19, $0x6  }
0x152: {  	v12 =	vbroadcast v6, $0x0;
	v8 =	vor.u32 s18, v0;
	v11 =	vadd.s32 $0x1, v6  }
0x153: {  	_ =	sdelay $0x1  }
0x154: {  	v9 =	vmul.f32 v10, v9;
	_ =	sdelay $0x1  }
0x155: {  	[tilespmem:v7+s9+$0x0] =	vst.idx.msk $0xffff, v9  }
0x156: {  	v7 =	vld.idx.msk [tilespmem:v8+s4+$0x0], $0xffff  }
0x157: {  	v9 =	vld.idx.msk [tilespmem:v12+s8+$0x0], $0xffff;
	_ =	sdelay $0x1  }
0x158: {  	v58 =	vbroadcast v11, $0x0;
	_ =	sdelay $0x1  }
0x159: {  	v59 =	vor.u32 s18, v3  }
0x15a: {  	v7 =	vmul.f32 v7, v9;
	_ =	sdelay $0x1  }
0x15b: {  	[tilespmem:v8+s9+$0x0] =	vst.idx.msk $0xffff, v7  }
0x15c: {  	v7 =	vld.idx.msk [tilespmem:v58+s8+$0x0], $0xffff  }
0x15d: {  	v8 =	vld.idx.msk [tilespmem:v59+s4+$0x0], $0xffff  }
0x15e: {  	v60 =	vadd.s32 $0x2, v6  }
0x15f: {  	v9 =	vbroadcast v60, $0x0;
	_ =	sdelay $0x1  }
0x160: {  	v61 =	vor.u32 s18, v4  }
0x161: {  	v7 =	vmul.f32 v8, v7;
	_ =	sdelay $0x1  }
0x162: {  	[tilespmem:v59+s9+$0x0] =	vst.idx.msk $0xffff, v7  }
0x163: {  	v7 =	vld.idx.msk [tilespmem:v9+s8+$0x0], $0xffff  }
0x164: {  	v62 =	vld.idx.msk [tilespmem:v61+s4+$0x0], $0xffff  }
0x165: {  	v6 =	vadd.s32 $0x3, v6  }
0x166: {  	v6 =	vbroadcast v6, $0x0;
	_ =	sdelay $0x1  }
0x167: {  	v63 =	vor.u32 s18, v5  }
0x168: {  	v7 =	vmul.f32 v62, v7;
	_ =	sdelay $0x1  }
0x169: {  	[tilespmem:v61+s9+$0x0] =	vst.idx.msk $0xffff, v7  }
0x16a: {  	v6 =	vld.idx.msk [tilespmem:v6+s8+$0x0], $0xffff  }
0x16b: {  	v7 =	vld.idx.msk [tilespmem:v63+s4+$0x0], $0xffff;
	_ =	sdelay $0x4  }
0x16c: {  	s14 =	sadd.s32 $0x1, s14;
	v6 =	vmul.f32 v7, v6  }
0x16d: {  	p1 =	seq.s32 s14, $0x32  }
.Ltmp10:
0x16e: {  	[tilespmem:v63+s9+$0x0] =	vst.idx.msk $0xffff, v6;
	(pc) =	sbr.rel @!p1 .LBB2_5-.Ltmp10, $4  }
0x16f: {  	[spmem:s2] =	stream.indirect.scatter.add.f32 [tilespmem:s9], [sflag:$0x1], $0x40, s0, s30, $0xb8;
	[tilespmem:$0x19AC0] =	vst v63  }
0x170: {  	_ =	swait.ge [sflag:s29], $0x6400  }
0x171: {  	[sflag:s29] =	ssyncset.done $0x0  }
0x172: {  	[sflag:s29] =	ssyncadd.s32 $0xFFFF9C00  }
.Ltmp11:
0x173: {  	(pc) =	sbr.rel .LBB2_18-.Ltmp11, $2  }
0x174: {  	_ =	sdelay $0x2  }
0x175: {  	s13 =	rddreg [dreg:$0x4]  }
.LBB2_19:
0x176: {  	_ =	sfence.sel $0x180000  }
0x177: {  	[bflag:$0x0] =	sbarrier.arrive $0xFFFF  }
0x178: {  	_ =	strace $0x9000004A  }
0x179: {  	s0 =	stileid.u32;
	[bflag:$0x2] =	sbarrier.arrive $0xFFFF  }
0x17a: {  	p0 =	sne.s32 s0, $0x0;
	s0 =	rddreg [dreg:$0x3]  }
0x17b: {  	s0 =	sadd.s32 @!p0 $0x100000, s0  }
0x17c: {  	[sflag:s0] =	ssyncadd.tile.s32 @!p0 $0x1;
	_ =	shalt  }
.Lfunc_end2:
_tile_overlayer_lowered:
.L_overlay_start_2:
0x17d: {  	(tag) =	ssettag $0x2  }
0x17e: {  	s0 =	rddreg [dreg:$0x0];
	s2 =	stileid.u32  }
0x17f: {  	s1 =	rddreg [dreg:$0x1];
	p0 =	sne.s32 s2, $0x0  }
0x180: {  	s3 =	rddreg [dreg:$0x2];
	[bflag:$0x3] =	sbarrier.arrive $0xFFFF;
	s2 =	simm.s32 @!p0 $0x1C01  }
0x181: {  	[timem:s3], [sflag:s2] =	dma.local @!p0 [hbm:s0], s1  }
0x182: {  	s0 =	simm.s32 @!p0 $0x1  }
0x183: {  	_ =	swait.ge @!p0 [sflag:s0], s1  }
0x184: {  	s1 =	ssub.s32 @!p0 $0x0, s1;
	[sflag:s0] =	ssyncset.done @!p0 $0x0  }
0x185: {  	[sflag:s0] =	ssyncadd.s32 @!p0 s1  }
0x186: {  	[bflag:$0x3] =	sbarrier.arrive $0xFFFF  }
0x187: {  	_ =	shalt  }

</sc_bundles>
